<compile_context>
chip_gen: v7x
topology: tpu7x:2x2x1
jax: 0.10.2.dev20260603
libtpu: 0.0.44.dev20260713+nightly
codegen_flags: <defaults>
</compile_context>

<pallas_src>
import numpy as np
import jax
import jax.numpy as jnp
from jax import lax
from jax.experimental import pallas as pl
from jax.experimental.pallas import tpu as pltpu
from jax.experimental.pallas import tpu_sc as plsc

MAX_SEQ_LEN = 200
EMBED_DIM = 64
BATCH = 4096
VOCAB = 100000

_N = BATCH * MAX_SEQ_LEN
_S = 128
_NCH = _N // _S
_NC, _NS = 2, 16
_NW = _NC * _NS
_CPW = _NCH // _NW


def _pos_encoding(max_seq_len, wordvec_size):
    pos = np.arange(max_seq_len).reshape(1, -1).T
    i = np.arange(wordvec_size / 2).reshape(1, -1)
    pos_emb = np.empty((max_seq_len, wordvec_size))
    pos_emb[:, 0::2] = np.sin(pos / np.power(10000, 2 * i / wordvec_size))
    pos_emb[:, 1::2] = np.cos(pos / np.power(10000, 2 * i / wordvec_size))
    return pos_emb.astype(np.float32)


_POS = _pos_encoding(MAX_SEQ_LEN, EMBED_DIM)

_TC_PARAMS = pltpu.CompilerParams(dimension_semantics=("parallel",))


def _mask_body(x_ref, o_ref):
    o_ref[...] = (x_ref[...] != 0).astype(jnp.float32)


def _padding_mask(inputs):
    return pl.pallas_call(
        _mask_body,
        out_shape=jax.ShapeDtypeStruct((BATCH, MAX_SEQ_LEN), jnp.float32),
    )(inputs)


def _pack_body(t_ref, o_ref):
    t = t_ref[...]
    o_ref[...] = jnp.concatenate(
        [t, jnp.zeros((t.shape[0], 128 - EMBED_DIM), jnp.float32)], axis=1)


def _tc_pack_table(table):
    blk = 5000
    return pl.pallas_call(
        _pack_body,
        grid=(VOCAB // blk,),
        in_specs=[pl.BlockSpec((blk, EMBED_DIM), lambda i: (i, 0))],
        out_specs=pl.BlockSpec((blk, 128), lambda i: (i, 0)),
        out_shape=jax.ShapeDtypeStruct((VOCAB, 128), jnp.float32),
        compiler_params=_TC_PARAMS,
    )(table)


def _finish_body(g_ref, p_ref, o_ref):
    nb = o_ref.shape[0]
    x = g_ref[...].reshape(nb, MAX_SEQ_LEN, 128)
    o_ref[...] = x[:, :, 0:EMBED_DIM] + p_ref[...][None]


def _tc_finish(gathered, pos):
    blk = 64
    return pl.pallas_call(
        _finish_body,
        grid=(BATCH // blk,),
        in_specs=[
            pl.BlockSpec((blk * MAX_SEQ_LEN, 128), lambda i: (i, 0)),
            pl.BlockSpec((MAX_SEQ_LEN, EMBED_DIM), lambda i: (0, 0)),
        ],
        out_specs=pl.BlockSpec((blk, MAX_SEQ_LEN, EMBED_DIM),
                               lambda i: (i, 0, 0)),
        out_shape=jax.ShapeDtypeStruct((BATCH, MAX_SEQ_LEN, EMBED_DIM),
                                       jnp.float32),
        compiler_params=_TC_PARAMS,
    )(gathered, pos)


def _sc_gather(table128, idx128):
    mesh = plsc.VectorSubcoreMesh(core_axis_name="c", subcore_axis_name="s")
    D, L = 5, 3

    @pl.kernel(
        out_type=jax.ShapeDtypeStruct((_N, 128), jnp.float32),
        mesh=mesh,
        compiler_params=pltpu.CompilerParams(use_tc_tiling_on_sc=True),
        scratch_types=[
            pltpu.VMEM((_CPW, _S), jnp.int32),
            pltpu.VMEM((D, _S, 128), jnp.float32),
        ] + [pltpu.SemaphoreType.DMA] * (2 * D),
    )
    def k(table_hbm, idx_hbm, out_hbm, idx_v, rows_v, *sems):
        wid = lax.axis_index("s") * _NC + lax.axis_index("c")
        base = wid * _CPW
        s_g = sems[:D]
        s_o = sems[D:]

        pltpu.sync_copy(idx_hbm.at[pl.ds(base, _CPW)], idx_v)

        def gather(c, b):
            return pltpu.make_async_copy(
                table_hbm.at[idx_v.at[c]], rows_v.at[b], s_g[b])

        def out_copy(c, b):
            return pltpu.make_async_copy(
                rows_v.at[b],
                out_hbm.at[pl.ds((base + c) * _S, _S)], s_o[b])

        for c in range(L):
            gather(c, c).start()

        @pl.loop(0, _CPW, step=D)
        def _(cc):
            for j in range(D):
                c = cc + j

                gather(c, j).wait()
                out_copy(c, j).start()

                @pl.when(c >= D - L)
                def _():
                    out_copy(c - (D - L), (j + L) % D).wait()

                @pl.when(c + L < _CPW)
                def _():
                    gather(c + L, (j + L) % D).start()

        for i in range(D - L):
            out_copy(_CPW - (D - L) + i, (_CPW - (D - L) + i) % D).wait()

    return k(table128, idx128)


def kernel(inputs, embed_table):
    mask = _padding_mask(inputs)
    table128 = _tc_pack_table(embed_table)
    idx128 = inputs.reshape(_NCH, _S)
    gathered = _sc_gather(table128, idx128)
    out = _tc_finish(gathered, jnp.asarray(_POS))
    return (out, mask.reshape(BATCH, 1, MAX_SEQ_LEN))

# --- scband reference (transcript-rebuilt; emitter-appended) ---
"""Pipeline reference for scband-init-encoder-layer-4466765988362 (READ-ONLY COPY).

The authoritative reference and input builder live on the scoring server;
editing this copy changes nothing except your own understanding.
"""

import jax, jax.numpy as jnp
import numpy as np

MAX_SEQ_LEN = 200
EMBED_DIM = 64
VOCAB = 100000
BATCH = 4096

def set_positional_encoding(max_seq_len, wordvec_size):
    pos = np.arange(max_seq_len).reshape(1, -1).T
    i = np.arange(wordvec_size / 2).reshape(1, -1)
    pos_emb = np.empty((1, max_seq_len, wordvec_size))
    pos_emb[:, :, 0::2] = np.sin(pos / np.power(10000, 2 * i / wordvec_size))
    pos_emb[:, :, 1::2] = np.cos(pos / np.power(10000, 2 * i / wordvec_size))
    return jnp.asarray(pos_emb, dtype=jnp.float32)

POS_CODE = set_positional_encoding(MAX_SEQ_LEN, EMBED_DIM)

def setup_inputs(seed: int = 0) -> dict:
    key = jax.random.key(seed)
    k1, k2 = jax.random.split(key)
    inputs = jax.random.randint(k1, (BATCH, MAX_SEQ_LEN), 0, VOCAB, dtype=jnp.int64 if jax.config.jax_enable_x64 else jnp.int32)
    embed_table = jax.random.normal(k2, (VOCAB, EMBED_DIM), dtype=jnp.float32) * 0.05
    return {"inputs": inputs, "embed_table": embed_table}

def reference(inputs, embed_table):
    # PaddingMask: 1 where token != 0, shape [B, 1, S]
    padding_mask = 1.0 - jnp.equal(inputs, 0).astype(jnp.float32)
    padding_mask = padding_mask[:, jnp.newaxis, :]
    # Embedding lookup
    embedded_seqs = jnp.take(embed_table, inputs, axis=0)
    # Positional encoding add
    out = embedded_seqs + POS_CODE
    return (out, padding_mask)

if __name__ == "__main__":
    import jax
    _d = setup_inputs()
    print(jax.jit(kernel)(*tuple(_d.values())))

</pallas_src>

<mosaic_0001>
#map = affine_map<(d0, d1) -> (0, 0)>
module attributes {stable_mosaic.version = 14 : i64} {
  func.func @k(%arg0: i32, %arg1: i32, %arg2: memref<100000x128xf32, #tpu.memory_space<hbm>>, %arg3: memref<6400x128xi32, #tpu.memory_space<hbm>>, %arg4: memref<819200x128xf32, #tpu.memory_space<hbm>>, %arg5: memref<200x128xi32, #tpu.memory_space<vmem>>, %arg6: memref<5x128x128xf32, #tpu.memory_space<vmem>>, %arg7: memref<!tpu.dma_semaphore, #tpu.memory_space<semaphore_mem>>, %arg8: memref<!tpu.dma_semaphore, #tpu.memory_space<semaphore_mem>>, %arg9: memref<!tpu.dma_semaphore, #tpu.memory_space<semaphore_mem>>, %arg10: memref<!tpu.dma_semaphore, #tpu.memory_space<semaphore_mem>>, %arg11: memref<!tpu.dma_semaphore, #tpu.memory_space<semaphore_mem>>, %arg12: memref<!tpu.dma_semaphore, #tpu.memory_space<semaphore_mem>>, %arg13: memref<!tpu.dma_semaphore, #tpu.memory_space<semaphore_mem>>, %arg14: memref<!tpu.dma_semaphore, #tpu.memory_space<semaphore_mem>>, %arg15: memref<!tpu.dma_semaphore, #tpu.memory_space<semaphore_mem>>, %arg16: memref<!tpu.dma_semaphore, #tpu.memory_space<semaphore_mem>>) attributes {dimension_semantics = [#tpu.dimension_semantics<core_parallel>, #tpu.dimension_semantics<subcore_parallel>], iteration_bounds = array<i64: 2, 16>, scalar_prefetch = 0 : i64, scratch_operands = 12 : i64, tpu.core_type = #tpu.core_type<sc_vector_subcore>, window_params = [{transform_indices = #map}, {transform_indices = #map}, {transform_indices = #map}]} {
    %mul3A = arith.constant 2 : i32
    %mul3A_0 = arith.muli %arg1, %mul3A : i32
    %add3A = arith.addi %mul3A_0, %arg0 : i32
    %mul3A_1 = arith.constant 200 : i32
    %mul3A_2 = arith.muli %add3A, %mul3A_1 : i32
    "tpu.region"() ({
      %run_scoped3A = tpu.sem_alloc : memref<!tpu.dma_semaphore, #tpu.memory_space<semaphore_mem>>
      %dma_start3A_75 = arith.constant 0 : i32
      %dma_start3A_76 = tpu.memref_slice %arg3[%mul3A_2, %dma_start3A_75] : memref<6400x128xi32, #tpu.memory_space<hbm>> -> memref<200x128xi32, #tpu.memory_space<hbm>>
      %dma_start3A_77 = arith.constant 0 : i32
      %dma_start3A_78 = tpu.memref_slice %arg3[%mul3A_2, %dma_start3A_77] : memref<6400x128xi32, #tpu.memory_space<hbm>> -> memref<200x128xi32, #tpu.memory_space<hbm>>
      tpu.enqueue_dma source(%dma_start3A_78 : memref<200x128xi32, #tpu.memory_space<hbm>>) target(%arg5 : memref<200x128xi32, #tpu.memory_space<vmem>>) target_semaphore(%run_scoped3A : memref<!tpu.dma_semaphore, #tpu.memory_space<semaphore_mem>>)
      %dma_wait3A_79 = arith.constant 0 : i32
      %dma_wait3A_80 = tpu.memref_slice %arg3[%mul3A_2, %dma_wait3A_79] : memref<6400x128xi32, #tpu.memory_space<hbm>> -> memref<200x128xi32, #tpu.memory_space<hbm>>
      %dma_wait3A_81 = arith.constant 0 : i32
      %dma_wait3A_82 = tpu.memref_slice %arg3[%mul3A_2, %dma_wait3A_81] : memref<6400x128xi32, #tpu.memory_space<hbm>> -> memref<200x128xi32, #tpu.memory_space<hbm>>
      tpu.wait_dma2 semaphore(%run_scoped3A : memref<!tpu.dma_semaphore, #tpu.memory_space<semaphore_mem>>) src(%dma_wait3A_82 : memref<200x128xi32, #tpu.memory_space<hbm>>) dst(%arg5 : memref<200x128xi32, #tpu.memory_space<vmem>>)
      tpu.yield
    }) : () -> ()
    %dma_start3A = arith.constant 0 : i32
    %dma_start3A_3 = arith.constant 0 : i32
    %dma_start3A_4 = arith.constant 0 : i32
    %dma_start3A_5 = arith.constant 0 : i32
    %dma_start3A_6 = tpu.memref_slice %arg6[%dma_start3A_3, %dma_start3A_4, %dma_start3A_5] : memref<5x128x128xf32, #tpu.memory_space<vmem>> -> memref<1x128x128xf32, #tpu.memory_space<vmem>>
    %dma_start3A_7 = tpu.memref_squeeze %dma_start3A_6 : memref<1x128x128xf32, #tpu.memory_space<vmem>> -> memref<128x128xf32, #tpu.memory_space<vmem>>
    %dma_start3A_8 = arith.constant 0 : i32
    %dma_start3A_9 = tpu.memref_slice %arg5[%dma_start3A, %dma_start3A_8] : memref<200x128xi32, #tpu.memory_space<vmem>> -> memref<1x128xi32, #tpu.memory_space<vmem>>
    %dma_start3A_10 = tpu.memref_squeeze %dma_start3A_9 : memref<1x128xi32, #tpu.memory_space<vmem>> -> memref<128xi32, #tpu.memory_space<vmem>>
    %dma_start3A_11 = arith.constant 0 : i32
    %dma_start3A_12 = arith.constant 0 : i32
    %dma_start3A_13 = tpu.memref_slice %arg2[%dma_start3A_11, %dma_start3A_12] : memref<100000x128xf32, #tpu.memory_space<hbm>> -> memref<100000x128xf32, #tpu.memory_space<hbm>>
    tpu.enqueue_indirect_dma source(%dma_start3A_13 : memref<100000x128xf32, #tpu.memory_space<hbm>>) target(%dma_start3A_7 : memref<128x128xf32, #tpu.memory_space<vmem>>) offsets(%dma_start3A_10 : memref<128xi32, #tpu.memory_space<vmem>>) semaphore(%arg7 : memref<!tpu.dma_semaphore, #tpu.memory_space<semaphore_mem>>)
    %dma_start3A_14 = arith.constant 1 : i32
    %dma_start3A_15 = arith.constant 1 : i32
    %dma_start3A_16 = arith.constant 0 : i32
    %dma_start3A_17 = arith.constant 0 : i32
    %dma_start3A_18 = tpu.memref_slice %arg6[%dma_start3A_15, %dma_start3A_16, %dma_start3A_17] : memref<5x128x128xf32, #tpu.memory_space<vmem>> -> memref<1x128x128xf32, #tpu.memory_space<vmem>>
    %dma_start3A_19 = tpu.memref_squeeze %dma_start3A_18 : memref<1x128x128xf32, #tpu.memory_space<vmem>> -> memref<128x128xf32, #tpu.memory_space<vmem>>
    %dma_start3A_20 = arith.constant 0 : i32
    %dma_start3A_21 = tpu.memref_slice %arg5[%dma_start3A_14, %dma_start3A_20] : memref<200x128xi32, #tpu.memory_space<vmem>> -> memref<1x128xi32, #tpu.memory_space<vmem>>
    %dma_start3A_22 = tpu.memref_squeeze %dma_start3A_21 : memref<1x128xi32, #tpu.memory_space<vmem>> -> memref<128xi32, #tpu.memory_space<vmem>>
    %dma_start3A_23 = arith.constant 0 : i32
    %dma_start3A_24 = arith.constant 0 : i32
    %dma_start3A_25 = tpu.memref_slice %arg2[%dma_start3A_23, %dma_start3A_24] : memref<100000x128xf32, #tpu.memory_space<hbm>> -> memref<100000x128xf32, #tpu.memory_space<hbm>>
    tpu.enqueue_indirect_dma source(%dma_start3A_25 : memref<100000x128xf32, #tpu.memory_space<hbm>>) target(%dma_start3A_19 : memref<128x128xf32, #tpu.memory_space<vmem>>) offsets(%dma_start3A_22 : memref<128xi32, #tpu.memory_space<vmem>>) semaphore(%arg8 : memref<!tpu.dma_semaphore, #tpu.memory_space<semaphore_mem>>)
    %dma_start3A_26 = arith.constant 2 : i32
    %dma_start3A_27 = arith.constant 2 : i32
    %dma_start3A_28 = arith.constant 0 : i32
    %dma_start3A_29 = arith.constant 0 : i32
    %dma_start3A_30 = tpu.memref_slice %arg6[%dma_start3A_27, %dma_start3A_28, %dma_start3A_29] : memref<5x128x128xf32, #tpu.memory_space<vmem>> -> memref<1x128x128xf32, #tpu.memory_space<vmem>>
    %dma_start3A_31 = tpu.memref_squeeze %dma_start3A_30 : memref<1x128x128xf32, #tpu.memory_space<vmem>> -> memref<128x128xf32, #tpu.memory_space<vmem>>
    %dma_start3A_32 = arith.constant 0 : i32
    %dma_start3A_33 = tpu.memref_slice %arg5[%dma_start3A_26, %dma_start3A_32] : memref<200x128xi32, #tpu.memory_space<vmem>> -> memref<1x128xi32, #tpu.memory_space<vmem>>
    %dma_start3A_34 = tpu.memref_squeeze %dma_start3A_33 : memref<1x128xi32, #tpu.memory_space<vmem>> -> memref<128xi32, #tpu.memory_space<vmem>>
    %dma_start3A_35 = arith.constant 0 : i32
    %dma_start3A_36 = arith.constant 0 : i32
    %dma_start3A_37 = tpu.memref_slice %arg2[%dma_start3A_35, %dma_start3A_36] : memref<100000x128xf32, #tpu.memory_space<hbm>> -> memref<100000x128xf32, #tpu.memory_space<hbm>>
    tpu.enqueue_indirect_dma source(%dma_start3A_37 : memref<100000x128xf32, #tpu.memory_space<hbm>>) target(%dma_start3A_31 : memref<128x128xf32, #tpu.memory_space<vmem>>) offsets(%dma_start3A_34 : memref<128xi32, #tpu.memory_space<vmem>>) semaphore(%arg9 : memref<!tpu.dma_semaphore, #tpu.memory_space<semaphore_mem>>)
    %scan3A = arith.constant 0 : i32
    %scan3A_38 = arith.constant 40 : i32
    %scan3A_39 = arith.addi %scan3A, %scan3A_38 : i32
    %scan3A_40 = arith.constant 1 : i32
    scf.for %scan3A_75 = %scan3A to %scan3A_39 step %scan3A_40  : i32 {
      %mul3A_76 = arith.constant 5 : i32
      %mul3A_77 = arith.muli %scan3A_75, %mul3A_76 : i32
      %add3A_78 = arith.constant 0 : i32
      %add3A_79 = arith.addi %add3A_78, %mul3A_77 : i32
      %add3A_80 = arith.constant 0 : i32
      %add3A_81 = arith.addi %add3A_79, %add3A_80 : i32
      %dma_wait3A_82 = arith.constant 0 : i32
      %dma_wait3A_83 = arith.constant 0 : i32
      %dma_wait3A_84 = arith.constant 0 : i32
      %dma_wait3A_85 = tpu.memref_slice %arg6[%dma_wait3A_82, %dma_wait3A_83, %dma_wait3A_84] : memref<5x128x128xf32, #tpu.memory_space<vmem>> -> memref<1x128x128xf32, #tpu.memory_space<vmem>>
      %dma_wait3A_86 = tpu.memref_squeeze %dma_wait3A_85 : memref<1x128x128xf32, #tpu.memory_space<vmem>> -> memref<128x128xf32, #tpu.memory_space<vmem>>
      %dma_wait3A_87 = arith.constant 0 : i32
      %dma_wait3A_88 = tpu.memref_slice %arg5[%add3A_81, %dma_wait3A_87] : memref<200x128xi32, #tpu.memory_space<vmem>> -> memref<1x128xi32, #tpu.memory_space<vmem>>
      %dma_wait3A_89 = tpu.memref_squeeze %dma_wait3A_88 : memref<1x128xi32, #tpu.memory_space<vmem>> -> memref<128xi32, #tpu.memory_space<vmem>>
      %dma_wait3A_90 = arith.constant 0 : i32
      %dma_wait3A_91 = arith.constant 0 : i32
      %dma_wait3A_92 = tpu.memref_slice %arg2[%dma_wait3A_90, %dma_wait3A_91] : memref<100000x128xf32, #tpu.memory_space<hbm>> -> memref<100000x128xf32, #tpu.memory_space<hbm>>
      tpu.wait_indirect_dma semaphore(%arg7 : memref<!tpu.dma_semaphore, #tpu.memory_space<semaphore_mem>>) src(%dma_wait3A_92 : memref<100000x128xf32, #tpu.memory_space<hbm>>) dst(%dma_wait3A_86 : memref<128x128xf32, #tpu.memory_space<vmem>>)
      %add3A_93 = arith.addi %mul3A_2, %add3A_81 : i32
      %mul3A_94 = arith.constant 128 : i32
      %mul3A_95 = arith.muli %add3A_93, %mul3A_94 : i32
      %dma_start3A_96 = arith.constant 0 : i32
      %dma_start3A_97 = arith.constant 0 : i32
      %dma_start3A_98 = arith.constant 0 : i32
      %dma_start3A_99 = tpu.memref_slice %arg6[%dma_start3A_96, %dma_start3A_97, %dma_start3A_98] : memref<5x128x128xf32, #tpu.memory_space<vmem>> -> memref<1x128x128xf32, #tpu.memory_space<vmem>>
      %dma_start3A_100 = tpu.memref_squeeze %dma_start3A_99 : memref<1x128x128xf32, #tpu.memory_space<vmem>> -> memref<128x128xf32, #tpu.memory_space<vmem>>
      %dma_start3A_101 = arith.constant 0 : i32
      %dma_start3A_102 = tpu.memref_slice %arg4[%mul3A_95, %dma_start3A_101] : memref<819200x128xf32, #tpu.memory_space<hbm>> -> memref<128x128xf32, #tpu.memory_space<hbm>>
      %dma_start3A_103 = arith.constant 0 : i32
      %dma_start3A_104 = tpu.memref_slice %arg4[%mul3A_95, %dma_start3A_103] : memref<819200x128xf32, #tpu.memory_space<hbm>> -> memref<128x128xf32, #tpu.memory_space<hbm>>
      %dma_start3A_105 = arith.constant 0 : i32
      %dma_start3A_106 = arith.constant 0 : i32
      %dma_start3A_107 = tpu.memref_slice %arg6[%dma_start3A_96, %dma_start3A_105, %dma_start3A_106] : memref<5x128x128xf32, #tpu.memory_space<vmem>> -> memref<1x128x128xf32, #tpu.memory_space<vmem>>
      %dma_start3A_108 = tpu.memref_squeeze %dma_start3A_107 : memref<1x128x128xf32, #tpu.memory_space<vmem>> -> memref<128x128xf32, #tpu.memory_space<vmem>>
      tpu.enqueue_dma source(%dma_start3A_108 : memref<128x128xf32, #tpu.memory_space<vmem>>) target(%dma_start3A_104 : memref<128x128xf32, #tpu.memory_space<hbm>>) target_semaphore(%arg12 : memref<!tpu.dma_semaphore, #tpu.memory_space<semaphore_mem>>)
      %ge3A = arith.constant 2 : i32
      %ge3A_109 = arith.cmpi sge, %add3A_81, %ge3A : i32
      %convert_element_type3A = arith.extui %ge3A_109 : i1 to i32
      %cond3A = arith.constant 0 : i32
      %cond3A_110 = arith.cmpi ne, %convert_element_type3A, %cond3A : i32
      scf.if %cond3A_110 {
        %sub3A = arith.constant 2 : i32
        %sub3A_281 = arith.subi %add3A_81, %sub3A : i32
        %add3A_282 = arith.addi %mul3A_2, %sub3A_281 : i32
        %mul3A_283 = arith.constant 128 : i32
        %mul3A_284 = arith.muli %add3A_282, %mul3A_283 : i32
        %dma_wait3A_285 = arith.constant 3 : i32
        %dma_wait3A_286 = arith.constant 0 : i32
        %dma_wait3A_287 = arith.constant 0 : i32
        %dma_wait3A_288 = tpu.memref_slice %arg6[%dma_wait3A_285, %dma_wait3A_286, %dma_wait3A_287] : memref<5x128x128xf32, #tpu.memory_space<vmem>> -> memref<1x128x128xf32, #tpu.memory_space<vmem>>
        %dma_wait3A_289 = tpu.memref_squeeze %dma_wait3A_288 : memref<1x128x128xf32, #tpu.memory_space<vmem>> -> memref<128x128xf32, #tpu.memory_space<vmem>>
        %dma_wait3A_290 = arith.constant 0 : i32
        %dma_wait3A_291 = tpu.memref_slice %arg4[%mul3A_284, %dma_wait3A_290] : memref<819200x128xf32, #tpu.memory_space<hbm>> -> memref<128x128xf32, #tpu.memory_space<hbm>>
        %dma_wait3A_292 = arith.constant 0 : i32
        %dma_wait3A_293 = tpu.memref_slice %arg4[%mul3A_284, %dma_wait3A_292] : memref<819200x128xf32, #tpu.memory_space<hbm>> -> memref<128x128xf32, #tpu.memory_space<hbm>>
        %dma_wait3A_294 = arith.constant 0 : i32
        %dma_wait3A_295 = arith.constant 0 : i32
        %dma_wait3A_296 = tpu.memref_slice %arg6[%dma_wait3A_285, %dma_wait3A_294, %dma_wait3A_295] : memref<5x128x128xf32, #tpu.memory_space<vmem>> -> memref<1x128x128xf32, #tpu.memory_space<vmem>>
        %dma_wait3A_297 = tpu.memref_squeeze %dma_wait3A_296 : memref<1x128x128xf32, #tpu.memory_space<vmem>> -> memref<128x128xf32, #tpu.memory_space<vmem>>
        tpu.wait_dma2 semaphore(%arg15 : memref<!tpu.dma_semaphore, #tpu.memory_space<semaphore_mem>>) src(%dma_wait3A_297 : memref<128x128xf32, #tpu.memory_space<vmem>>) dst(%dma_wait3A_293 : memref<128x128xf32, #tpu.memory_space<hbm>>)
      } else {
      }
      %add3A_111 = arith.constant 3 : i32
      %add3A_112 = arith.addi %add3A_81, %add3A_111 : i32
      %lt3A = arith.constant 200 : i32
      %lt3A_113 = arith.cmpi slt, %add3A_112, %lt3A : i32
      %convert_element_type3A_114 = arith.extui %lt3A_113 : i1 to i32
      %cond3A_115 = arith.constant 0 : i32
      %cond3A_116 = arith.cmpi ne, %convert_element_type3A_114, %cond3A_115 : i32
      scf.if %cond3A_116 {
        %add3A_281 = arith.constant 3 : i32
        %add3A_282 = arith.addi %add3A_81, %add3A_281 : i32
        %dma_start3A_283 = arith.constant 3 : i32
        %dma_start3A_284 = arith.constant 0 : i32
        %dma_start3A_285 = arith.constant 0 : i32
        %dma_start3A_286 = tpu.memref_slice %arg6[%dma_start3A_283, %dma_start3A_284, %dma_start3A_285] : memref<5x128x128xf32, #tpu.memory_space<vmem>> -> memref<1x128x128xf32, #tpu.memory_space<vmem>>
        %dma_start3A_287 = tpu.memref_squeeze %dma_start3A_286 : memref<1x128x128xf32, #tpu.memory_space<vmem>> -> memref<128x128xf32, #tpu.memory_space<vmem>>
        %dma_start3A_288 = arith.constant 0 : i32
        %dma_start3A_289 = tpu.memref_slice %arg5[%add3A_282, %dma_start3A_288] : memref<200x128xi32, #tpu.memory_space<vmem>> -> memref<1x128xi32, #tpu.memory_space<vmem>>
        %dma_start3A_290 = tpu.memref_squeeze %dma_start3A_289 : memref<1x128xi32, #tpu.memory_space<vmem>> -> memref<128xi32, #tpu.memory_space<vmem>>
        %dma_start3A_291 = arith.constant 0 : i32
        %dma_start3A_292 = arith.constant 0 : i32
        %dma_start3A_293 = tpu.memref_slice %arg2[%dma_start3A_291, %dma_start3A_292] : memref<100000x128xf32, #tpu.memory_space<hbm>> -> memref<100000x128xf32, #tpu.memory_space<hbm>>
        tpu.enqueue_indirect_dma source(%dma_start3A_293 : memref<100000x128xf32, #tpu.memory_space<hbm>>) target(%dma_start3A_287 : memref<128x128xf32, #tpu.memory_space<vmem>>) offsets(%dma_start3A_290 : memref<128xi32, #tpu.memory_space<vmem>>) semaphore(%arg10 : memref<!tpu.dma_semaphore, #tpu.memory_space<semaphore_mem>>)
      } else {
      }
      %add3A_117 = arith.constant 1 : i32
      %add3A_118 = arith.addi %add3A_79, %add3A_117 : i32
      %dma_wait3A_119 = arith.constant 1 : i32
      %dma_wait3A_120 = arith.constant 0 : i32
      %dma_wait3A_121 = arith.constant 0 : i32
      %dma_wait3A_122 = tpu.memref_slice %arg6[%dma_wait3A_119, %dma_wait3A_120, %dma_wait3A_121] : memref<5x128x128xf32, #tpu.memory_space<vmem>> -> memref<1x128x128xf32, #tpu.memory_space<vmem>>
      %dma_wait3A_123 = tpu.memref_squeeze %dma_wait3A_122 : memref<1x128x128xf32, #tpu.memory_space<vmem>> -> memref<128x128xf32, #tpu.memory_space<vmem>>
      %dma_wait3A_124 = arith.constant 0 : i32
      %dma_wait3A_125 = tpu.memref_slice %arg5[%add3A_118, %dma_wait3A_124] : memref<200x128xi32, #tpu.memory_space<vmem>> -> memref<1x128xi32, #tpu.memory_space<vmem>>
      %dma_wait3A_126 = tpu.memref_squeeze %dma_wait3A_125 : memref<1x128xi32, #tpu.memory_space<vmem>> -> memref<128xi32, #tpu.memory_space<vmem>>
      %dma_wait3A_127 = arith.constant 0 : i32
      %dma_wait3A_128 = arith.constant 0 : i32
      %dma_wait3A_129 = tpu.memref_slice %arg2[%dma_wait3A_127, %dma_wait3A_128] : memref<100000x128xf32, #tpu.memory_space<hbm>> -> memref<100000x128xf32, #tpu.memory_space<hbm>>
      tpu.wait_indirect_dma semaphore(%arg8 : memref<!tpu.dma_semaphore, #tpu.memory_space<semaphore_mem>>) src(%dma_wait3A_129 : memref<100000x128xf32, #tpu.memory_space<hbm>>) dst(%dma_wait3A_123 : memref<128x128xf32, #tpu.memory_space<vmem>>)
      %add3A_130 = arith.addi %mul3A_2, %add3A_118 : i32
      %mul3A_131 = arith.constant 128 : i32
      %mul3A_132 = arith.muli %add3A_130, %mul3A_131 : i32
      %dma_start3A_133 = arith.constant 1 : i32
      %dma_start3A_134 = arith.constant 0 : i32
      %dma_start3A_135 = arith.constant 0 : i32
      %dma_start3A_136 = tpu.memref_slice %arg6[%dma_start3A_133, %dma_start3A_134, %dma_start3A_135] : memref<5x128x128xf32, #tpu.memory_space<vmem>> -> memref<1x128x128xf32, #tpu.memory_space<vmem>>
      %dma_start3A_137 = tpu.memref_squeeze %dma_start3A_136 : memref<1x128x128xf32, #tpu.memory_space<vmem>> -> memref<128x128xf32, #tpu.memory_space<vmem>>
      %dma_start3A_138 = arith.constant 0 : i32
      %dma_start3A_139 = tpu.memref_slice %arg4[%mul3A_132, %dma_start3A_138] : memref<819200x128xf32, #tpu.memory_space<hbm>> -> memref<128x128xf32, #tpu.memory_space<hbm>>
      %dma_start3A_140 = arith.constant 0 : i32
      %dma_start3A_141 = tpu.memref_slice %arg4[%mul3A_132, %dma_start3A_140] : memref<819200x128xf32, #tpu.memory_space<hbm>> -> memref<128x128xf32, #tpu.memory_space<hbm>>
      %dma_start3A_142 = arith.constant 0 : i32
      %dma_start3A_143 = arith.constant 0 : i32
      %dma_start3A_144 = tpu.memref_slice %arg6[%dma_start3A_133, %dma_start3A_142, %dma_start3A_143] : memref<5x128x128xf32, #tpu.memory_space<vmem>> -> memref<1x128x128xf32, #tpu.memory_space<vmem>>
      %dma_start3A_145 = tpu.memref_squeeze %dma_start3A_144 : memref<1x128x128xf32, #tpu.memory_space<vmem>> -> memref<128x128xf32, #tpu.memory_space<vmem>>
      tpu.enqueue_dma source(%dma_start3A_145 : memref<128x128xf32, #tpu.memory_space<vmem>>) target(%dma_start3A_141 : memref<128x128xf32, #tpu.memory_space<hbm>>) target_semaphore(%arg13 : memref<!tpu.dma_semaphore, #tpu.memory_space<semaphore_mem>>)
      %ge3A_146 = arith.constant 2 : i32
      %ge3A_147 = arith.cmpi sge, %add3A_118, %ge3A_146 : i32
      %convert_element_type3A_148 = arith.extui %ge3A_147 : i1 to i32
      %cond3A_149 = arith.constant 0 : i32
      %cond3A_150 = arith.cmpi ne, %convert_element_type3A_148, %cond3A_149 : i32
      scf.if %cond3A_150 {
        %sub3A = arith.constant 2 : i32
        %sub3A_281 = arith.subi %add3A_118, %sub3A : i32
        %add3A_282 = arith.addi %mul3A_2, %sub3A_281 : i32
        %mul3A_283 = arith.constant 128 : i32
        %mul3A_284 = arith.muli %add3A_282, %mul3A_283 : i32
        %dma_wait3A_285 = arith.constant 4 : i32
        %dma_wait3A_286 = arith.constant 0 : i32
        %dma_wait3A_287 = arith.constant 0 : i32
        %dma_wait3A_288 = tpu.memref_slice %arg6[%dma_wait3A_285, %dma_wait3A_286, %dma_wait3A_287] : memref<5x128x128xf32, #tpu.memory_space<vmem>> -> memref<1x128x128xf32, #tpu.memory_space<vmem>>
        %dma_wait3A_289 = tpu.memref_squeeze %dma_wait3A_288 : memref<1x128x128xf32, #tpu.memory_space<vmem>> -> memref<128x128xf32, #tpu.memory_space<vmem>>
        %dma_wait3A_290 = arith.constant 0 : i32
        %dma_wait3A_291 = tpu.memref_slice %arg4[%mul3A_284, %dma_wait3A_290] : memref<819200x128xf32, #tpu.memory_space<hbm>> -> memref<128x128xf32, #tpu.memory_space<hbm>>
        %dma_wait3A_292 = arith.constant 0 : i32
        %dma_wait3A_293 = tpu.memref_slice %arg4[%mul3A_284, %dma_wait3A_292] : memref<819200x128xf32, #tpu.memory_space<hbm>> -> memref<128x128xf32, #tpu.memory_space<hbm>>
        %dma_wait3A_294 = arith.constant 0 : i32
        %dma_wait3A_295 = arith.constant 0 : i32
        %dma_wait3A_296 = tpu.memref_slice %arg6[%dma_wait3A_285, %dma_wait3A_294, %dma_wait3A_295] : memref<5x128x128xf32, #tpu.memory_space<vmem>> -> memref<1x128x128xf32, #tpu.memory_space<vmem>>
        %dma_wait3A_297 = tpu.memref_squeeze %dma_wait3A_296 : memref<1x128x128xf32, #tpu.memory_space<vmem>> -> memref<128x128xf32, #tpu.memory_space<vmem>>
        tpu.wait_dma2 semaphore(%arg16 : memref<!tpu.dma_semaphore, #tpu.memory_space<semaphore_mem>>) src(%dma_wait3A_297 : memref<128x128xf32, #tpu.memory_space<vmem>>) dst(%dma_wait3A_293 : memref<128x128xf32, #tpu.memory_space<hbm>>)
      } else {
      }
      %add3A_151 = arith.constant 3 : i32
      %add3A_152 = arith.addi %add3A_118, %add3A_151 : i32
      %lt3A_153 = arith.constant 200 : i32
      %lt3A_154 = arith.cmpi slt, %add3A_152, %lt3A_153 : i32
      %convert_element_type3A_155 = arith.extui %lt3A_154 : i1 to i32
      %cond3A_156 = arith.constant 0 : i32
      %cond3A_157 = arith.cmpi ne, %convert_element_type3A_155, %cond3A_156 : i32
      scf.if %cond3A_157 {
        %add3A_281 = arith.constant 3 : i32
        %add3A_282 = arith.addi %add3A_118, %add3A_281 : i32
        %dma_start3A_283 = arith.constant 4 : i32
        %dma_start3A_284 = arith.constant 0 : i32
        %dma_start3A_285 = arith.constant 0 : i32
        %dma_start3A_286 = tpu.memref_slice %arg6[%dma_start3A_283, %dma_start3A_284, %dma_start3A_285] : memref<5x128x128xf32, #tpu.memory_space<vmem>> -> memref<1x128x128xf32, #tpu.memory_space<vmem>>
        %dma_start3A_287 = tpu.memref_squeeze %dma_start3A_286 : memref<1x128x128xf32, #tpu.memory_space<vmem>> -> memref<128x128xf32, #tpu.memory_space<vmem>>
        %dma_start3A_288 = arith.constant 0 : i32
        %dma_start3A_289 = tpu.memref_slice %arg5[%add3A_282, %dma_start3A_288] : memref<200x128xi32, #tpu.memory_space<vmem>> -> memref<1x128xi32, #tpu.memory_space<vmem>>
        %dma_start3A_290 = tpu.memref_squeeze %dma_start3A_289 : memref<1x128xi32, #tpu.memory_space<vmem>> -> memref<128xi32, #tpu.memory_space<vmem>>
        %dma_start3A_291 = arith.constant 0 : i32
        %dma_start3A_292 = arith.constant 0 : i32
        %dma_start3A_293 = tpu.memref_slice %arg2[%dma_start3A_291, %dma_start3A_292] : memref<100000x128xf32, #tpu.memory_space<hbm>> -> memref<100000x128xf32, #tpu.memory_space<hbm>>
        tpu.enqueue_indirect_dma source(%dma_start3A_293 : memref<100000x128xf32, #tpu.memory_space<hbm>>) target(%dma_start3A_287 : memref<128x128xf32, #tpu.memory_space<vmem>>) offsets(%dma_start3A_290 : memref<128xi32, #tpu.memory_space<vmem>>) semaphore(%arg11 : memref<!tpu.dma_semaphore, #tpu.memory_space<semaphore_mem>>)
      } else {
      }
      %add3A_158 = arith.constant 2 : i32
      %add3A_159 = arith.addi %add3A_79, %add3A_158 : i32
      %dma_wait3A_160 = arith.constant 2 : i32
      %dma_wait3A_161 = arith.constant 0 : i32
      %dma_wait3A_162 = arith.constant 0 : i32
      %dma_wait3A_163 = tpu.memref_slice %arg6[%dma_wait3A_160, %dma_wait3A_161, %dma_wait3A_162] : memref<5x128x128xf32, #tpu.memory_space<vmem>> -> memref<1x128x128xf32, #tpu.memory_space<vmem>>
      %dma_wait3A_164 = tpu.memref_squeeze %dma_wait3A_163 : memref<1x128x128xf32, #tpu.memory_space<vmem>> -> memref<128x128xf32, #tpu.memory_space<vmem>>
      %dma_wait3A_165 = arith.constant 0 : i32
      %dma_wait3A_166 = tpu.memref_slice %arg5[%add3A_159, %dma_wait3A_165] : memref<200x128xi32, #tpu.memory_space<vmem>> -> memref<1x128xi32, #tpu.memory_space<vmem>>
      %dma_wait3A_167 = tpu.memref_squeeze %dma_wait3A_166 : memref<1x128xi32, #tpu.memory_space<vmem>> -> memref<128xi32, #tpu.memory_space<vmem>>
      %dma_wait3A_168 = arith.constant 0 : i32
      %dma_wait3A_169 = arith.constant 0 : i32
      %dma_wait3A_170 = tpu.memref_slice %arg2[%dma_wait3A_168, %dma_wait3A_169] : memref<100000x128xf32, #tpu.memory_space<hbm>> -> memref<100000x128xf32, #tpu.memory_space<hbm>>
      tpu.wait_indirect_dma semaphore(%arg9 : memref<!tpu.dma_semaphore, #tpu.memory_space<semaphore_mem>>) src(%dma_wait3A_170 : memref<100000x128xf32, #tpu.memory_space<hbm>>) dst(%dma_wait3A_164 : memref<128x128xf32, #tpu.memory_space<vmem>>)
      %add3A_171 = arith.addi %mul3A_2, %add3A_159 : i32
      %mul3A_172 = arith.constant 128 : i32
      %mul3A_173 = arith.muli %add3A_171, %mul3A_172 : i32
      %dma_start3A_174 = arith.constant 2 : i32
      %dma_start3A_175 = arith.constant 0 : i32
      %dma_start3A_176 = arith.constant 0 : i32
      %dma_start3A_177 = tpu.memref_slice %arg6[%dma_start3A_174, %dma_start3A_175, %dma_start3A_176] : memref<5x128x128xf32, #tpu.memory_space<vmem>> -> memref<1x128x128xf32, #tpu.memory_space<vmem>>
      %dma_start3A_178 = tpu.memref_squeeze %dma_start3A_177 : memref<1x128x128xf32, #tpu.memory_space<vmem>> -> memref<128x128xf32, #tpu.memory_space<vmem>>
      %dma_start3A_179 = arith.constant 0 : i32
      %dma_start3A_180 = tpu.memref_slice %arg4[%mul3A_173, %dma_start3A_179] : memref<819200x128xf32, #tpu.memory_space<hbm>> -> memref<128x128xf32, #tpu.memory_space<hbm>>
      %dma_start3A_181 = arith.constant 0 : i32
      %dma_start3A_182 = tpu.memref_slice %arg4[%mul3A_173, %dma_start3A_181] : memref<819200x128xf32, #tpu.memory_space<hbm>> -> memref<128x128xf32, #tpu.memory_space<hbm>>
      %dma_start3A_183 = arith.constant 0 : i32
      %dma_start3A_184 = arith.constant 0 : i32
      %dma_start3A_185 = tpu.memref_slice %arg6[%dma_start3A_174, %dma_start3A_183, %dma_start3A_184] : memref<5x128x128xf32, #tpu.memory_space<vmem>> -> memref<1x128x128xf32, #tpu.memory_space<vmem>>
      %dma_start3A_186 = tpu.memref_squeeze %dma_start3A_185 : memref<1x128x128xf32, #tpu.memory_space<vmem>> -> memref<128x128xf32, #tpu.memory_space<vmem>>
      tpu.enqueue_dma source(%dma_start3A_186 : memref<128x128xf32, #tpu.memory_space<vmem>>) target(%dma_start3A_182 : memref<128x128xf32, #tpu.memory_space<hbm>>) target_semaphore(%arg14 : memref<!tpu.dma_semaphore, #tpu.memory_space<semaphore_mem>>)
      %ge3A_187 = arith.constant 2 : i32
      %ge3A_188 = arith.cmpi sge, %add3A_159, %ge3A_187 : i32
      %convert_element_type3A_189 = arith.extui %ge3A_188 : i1 to i32
      %cond3A_190 = arith.constant 0 : i32
      %cond3A_191 = arith.cmpi ne, %convert_element_type3A_189, %cond3A_190 : i32
      scf.if %cond3A_191 {
        %sub3A = arith.constant 2 : i32
        %sub3A_281 = arith.subi %add3A_159, %sub3A : i32
        %add3A_282 = arith.addi %mul3A_2, %sub3A_281 : i32
        %mul3A_283 = arith.constant 128 : i32
        %mul3A_284 = arith.muli %add3A_282, %mul3A_283 : i32
        %dma_wait3A_285 = arith.constant 0 : i32
        %dma_wait3A_286 = arith.constant 0 : i32
        %dma_wait3A_287 = arith.constant 0 : i32
        %dma_wait3A_288 = tpu.memref_slice %arg6[%dma_wait3A_285, %dma_wait3A_286, %dma_wait3A_287] : memref<5x128x128xf32, #tpu.memory_space<vmem>> -> memref<1x128x128xf32, #tpu.memory_space<vmem>>
        %dma_wait3A_289 = tpu.memref_squeeze %dma_wait3A_288 : memref<1x128x128xf32, #tpu.memory_space<vmem>> -> memref<128x128xf32, #tpu.memory_space<vmem>>
        %dma_wait3A_290 = arith.constant 0 : i32
        %dma_wait3A_291 = tpu.memref_slice %arg4[%mul3A_284, %dma_wait3A_290] : memref<819200x128xf32, #tpu.memory_space<hbm>> -> memref<128x128xf32, #tpu.memory_space<hbm>>
        %dma_wait3A_292 = arith.constant 0 : i32
        %dma_wait3A_293 = tpu.memref_slice %arg4[%mul3A_284, %dma_wait3A_292] : memref<819200x128xf32, #tpu.memory_space<hbm>> -> memref<128x128xf32, #tpu.memory_space<hbm>>
        %dma_wait3A_294 = arith.constant 0 : i32
        %dma_wait3A_295 = arith.constant 0 : i32
        %dma_wait3A_296 = tpu.memref_slice %arg6[%dma_wait3A_285, %dma_wait3A_294, %dma_wait3A_295] : memref<5x128x128xf32, #tpu.memory_space<vmem>> -> memref<1x128x128xf32, #tpu.memory_space<vmem>>
        %dma_wait3A_297 = tpu.memref_squeeze %dma_wait3A_296 : memref<1x128x128xf32, #tpu.memory_space<vmem>> -> memref<128x128xf32, #tpu.memory_space<vmem>>
        tpu.wait_dma2 semaphore(%arg12 : memref<!tpu.dma_semaphore, #tpu.memory_space<semaphore_mem>>) src(%dma_wait3A_297 : memref<128x128xf32, #tpu.memory_space<vmem>>) dst(%dma_wait3A_293 : memref<128x128xf32, #tpu.memory_space<hbm>>)
      } else {
      }
      %add3A_192 = arith.constant 3 : i32
      %add3A_193 = arith.addi %add3A_159, %add3A_192 : i32
      %lt3A_194 = arith.constant 200 : i32
      %lt3A_195 = arith.cmpi slt, %add3A_193, %lt3A_194 : i32
      %convert_element_type3A_196 = arith.extui %lt3A_195 : i1 to i32
      %cond3A_197 = arith.constant 0 : i32
      %cond3A_198 = arith.cmpi ne, %convert_element_type3A_196, %cond3A_197 : i32
      scf.if %cond3A_198 {
        %add3A_281 = arith.constant 3 : i32
        %add3A_282 = arith.addi %add3A_159, %add3A_281 : i32
        %dma_start3A_283 = arith.constant 0 : i32
        %dma_start3A_284 = arith.constant 0 : i32
        %dma_start3A_285 = arith.constant 0 : i32
        %dma_start3A_286 = tpu.memref_slice %arg6[%dma_start3A_283, %dma_start3A_284, %dma_start3A_285] : memref<5x128x128xf32, #tpu.memory_space<vmem>> -> memref<1x128x128xf32, #tpu.memory_space<vmem>>
        %dma_start3A_287 = tpu.memref_squeeze %dma_start3A_286 : memref<1x128x128xf32, #tpu.memory_space<vmem>> -> memref<128x128xf32, #tpu.memory_space<vmem>>
        %dma_start3A_288 = arith.constant 0 : i32
        %dma_start3A_289 = tpu.memref_slice %arg5[%add3A_282, %dma_start3A_288] : memref<200x128xi32, #tpu.memory_space<vmem>> -> memref<1x128xi32, #tpu.memory_space<vmem>>
        %dma_start3A_290 = tpu.memref_squeeze %dma_start3A_289 : memref<1x128xi32, #tpu.memory_space<vmem>> -> memref<128xi32, #tpu.memory_space<vmem>>
        %dma_start3A_291 = arith.constant 0 : i32
        %dma_start3A_292 = arith.constant 0 : i32
        %dma_start3A_293 = tpu.memref_slice %arg2[%dma_start3A_291, %dma_start3A_292] : memref<100000x128xf32, #tpu.memory_space<hbm>> -> memref<100000x128xf32, #tpu.memory_space<hbm>>
        tpu.enqueue_indirect_dma source(%dma_start3A_293 : memref<100000x128xf32, #tpu.memory_space<hbm>>) target(%dma_start3A_287 : memref<128x128xf32, #tpu.memory_space<vmem>>) offsets(%dma_start3A_290 : memref<128xi32, #tpu.memory_space<vmem>>) semaphore(%arg7 : memref<!tpu.dma_semaphore, #tpu.memory_space<semaphore_mem>>)
      } else {
      }
      %add3A_199 = arith.constant 3 : i32
      %add3A_200 = arith.addi %add3A_79, %add3A_199 : i32
      %dma_wait3A_201 = arith.constant 3 : i32
      %dma_wait3A_202 = arith.constant 0 : i32
      %dma_wait3A_203 = arith.constant 0 : i32
      %dma_wait3A_204 = tpu.memref_slice %arg6[%dma_wait3A_201, %dma_wait3A_202, %dma_wait3A_203] : memref<5x128x128xf32, #tpu.memory_space<vmem>> -> memref<1x128x128xf32, #tpu.memory_space<vmem>>
      %dma_wait3A_205 = tpu.memref_squeeze %dma_wait3A_204 : memref<1x128x128xf32, #tpu.memory_space<vmem>> -> memref<128x128xf32, #tpu.memory_space<vmem>>
      %dma_wait3A_206 = arith.constant 0 : i32
      %dma_wait3A_207 = tpu.memref_slice %arg5[%add3A_200, %dma_wait3A_206] : memref<200x128xi32, #tpu.memory_space<vmem>> -> memref<1x128xi32, #tpu.memory_space<vmem>>
      %dma_wait3A_208 = tpu.memref_squeeze %dma_wait3A_207 : memref<1x128xi32, #tpu.memory_space<vmem>> -> memref<128xi32, #tpu.memory_space<vmem>>
      %dma_wait3A_209 = arith.constant 0 : i32
      %dma_wait3A_210 = arith.constant 0 : i32
      %dma_wait3A_211 = tpu.memref_slice %arg2[%dma_wait3A_209, %dma_wait3A_210] : memref<100000x128xf32, #tpu.memory_space<hbm>> -> memref<100000x128xf32, #tpu.memory_space<hbm>>
      tpu.wait_indirect_dma semaphore(%arg10 : memref<!tpu.dma_semaphore, #tpu.memory_space<semaphore_mem>>) src(%dma_wait3A_211 : memref<100000x128xf32, #tpu.memory_space<hbm>>) dst(%dma_wait3A_205 : memref<128x128xf32, #tpu.memory_space<vmem>>)
      %add3A_212 = arith.addi %mul3A_2, %add3A_200 : i32
      %mul3A_213 = arith.constant 128 : i32
      %mul3A_214 = arith.muli %add3A_212, %mul3A_213 : i32
      %dma_start3A_215 = arith.constant 3 : i32
      %dma_start3A_216 = arith.constant 0 : i32
      %dma_start3A_217 = arith.constant 0 : i32
      %dma_start3A_218 = tpu.memref_slice %arg6[%dma_start3A_215, %dma_start3A_216, %dma_start3A_217] : memref<5x128x128xf32, #tpu.memory_space<vmem>> -> memref<1x128x128xf32, #tpu.memory_space<vmem>>
      %dma_start3A_219 = tpu.memref_squeeze %dma_start3A_218 : memref<1x128x128xf32, #tpu.memory_space<vmem>> -> memref<128x128xf32, #tpu.memory_space<vmem>>
      %dma_start3A_220 = arith.constant 0 : i32
      %dma_start3A_221 = tpu.memref_slice %arg4[%mul3A_214, %dma_start3A_220] : memref<819200x128xf32, #tpu.memory_space<hbm>> -> memref<128x128xf32, #tpu.memory_space<hbm>>
      %dma_start3A_222 = arith.constant 0 : i32
      %dma_start3A_223 = tpu.memref_slice %arg4[%mul3A_214, %dma_start3A_222] : memref<819200x128xf32, #tpu.memory_space<hbm>> -> memref<128x128xf32, #tpu.memory_space<hbm>>
      %dma_start3A_224 = arith.constant 0 : i32
      %dma_start3A_225 = arith.constant 0 : i32
      %dma_start3A_226 = tpu.memref_slice %arg6[%dma_start3A_215, %dma_start3A_224, %dma_start3A_225] : memref<5x128x128xf32, #tpu.memory_space<vmem>> -> memref<1x128x128xf32, #tpu.memory_space<vmem>>
      %dma_start3A_227 = tpu.memref_squeeze %dma_start3A_226 : memref<1x128x128xf32, #tpu.memory_space<vmem>> -> memref<128x128xf32, #tpu.memory_space<vmem>>
      tpu.enqueue_dma source(%dma_start3A_227 : memref<128x128xf32, #tpu.memory_space<vmem>>) target(%dma_start3A_223 : memref<128x128xf32, #tpu.memory_space<hbm>>) target_semaphore(%arg15 : memref<!tpu.dma_semaphore, #tpu.memory_space<semaphore_mem>>)
      %ge3A_228 = arith.constant 2 : i32
      %ge3A_229 = arith.cmpi sge, %add3A_200, %ge3A_228 : i32
      %convert_element_type3A_230 = arith.extui %ge3A_229 : i1 to i32
      %cond3A_231 = arith.constant 0 : i32
      %cond3A_232 = arith.cmpi ne, %convert_element_type3A_230, %cond3A_231 : i32
      scf.if %cond3A_232 {
        %sub3A = arith.constant 2 : i32
        %sub3A_281 = arith.subi %add3A_200, %sub3A : i32
        %add3A_282 = arith.addi %mul3A_2, %sub3A_281 : i32
        %mul3A_283 = arith.constant 128 : i32
        %mul3A_284 = arith.muli %add3A_282, %mul3A_283 : i32
        %dma_wait3A_285 = arith.constant 1 : i32
        %dma_wait3A_286 = arith.constant 0 : i32
        %dma_wait3A_287 = arith.constant 0 : i32
        %dma_wait3A_288 = tpu.memref_slice %arg6[%dma_wait3A_285, %dma_wait3A_286, %dma_wait3A_287] : memref<5x128x128xf32, #tpu.memory_space<vmem>> -> memref<1x128x128xf32, #tpu.memory_space<vmem>>
        %dma_wait3A_289 = tpu.memref_squeeze %dma_wait3A_288 : memref<1x128x128xf32, #tpu.memory_space<vmem>> -> memref<128x128xf32, #tpu.memory_space<vmem>>
        %dma_wait3A_290 = arith.constant 0 : i32
        %dma_wait3A_291 = tpu.memref_slice %arg4[%mul3A_284, %dma_wait3A_290] : memref<819200x128xf32, #tpu.memory_space<hbm>> -> memref<128x128xf32, #tpu.memory_space<hbm>>
        %dma_wait3A_292 = arith.constant 0 : i32
        %dma_wait3A_293 = tpu.memref_slice %arg4[%mul3A_284, %dma_wait3A_292] : memref<819200x128xf32, #tpu.memory_space<hbm>> -> memref<128x128xf32, #tpu.memory_space<hbm>>
        %dma_wait3A_294 = arith.constant 0 : i32
        %dma_wait3A_295 = arith.constant 0 : i32
        %dma_wait3A_296 = tpu.memref_slice %arg6[%dma_wait3A_285, %dma_wait3A_294, %dma_wait3A_295] : memref<5x128x128xf32, #tpu.memory_space<vmem>> -> memref<1x128x128xf32, #tpu.memory_space<vmem>>
        %dma_wait3A_297 = tpu.memref_squeeze %dma_wait3A_296 : memref<1x128x128xf32, #tpu.memory_space<vmem>> -> memref<128x128xf32, #tpu.memory_space<vmem>>
        tpu.wait_dma2 semaphore(%arg13 : memref<!tpu.dma_semaphore, #tpu.memory_space<semaphore_mem>>) src(%dma_wait3A_297 : memref<128x128xf32, #tpu.memory_space<vmem>>) dst(%dma_wait3A_293 : memref<128x128xf32, #tpu.memory_space<hbm>>)
      } else {
      }
      %add3A_233 = arith.constant 3 : i32
      %add3A_234 = arith.addi %add3A_200, %add3A_233 : i32
      %lt3A_235 = arith.constant 200 : i32
      %lt3A_236 = arith.cmpi slt, %add3A_234, %lt3A_235 : i32
      %convert_element_type3A_237 = arith.extui %lt3A_236 : i1 to i32
      %cond3A_238 = arith.constant 0 : i32
      %cond3A_239 = arith.cmpi ne, %convert_element_type3A_237, %cond3A_238 : i32
      scf.if %cond3A_239 {
        %add3A_281 = arith.constant 3 : i32
        %add3A_282 = arith.addi %add3A_200, %add3A_281 : i32
        %dma_start3A_283 = arith.constant 1 : i32
        %dma_start3A_284 = arith.constant 0 : i32
        %dma_start3A_285 = arith.constant 0 : i32
        %dma_start3A_286 = tpu.memref_slice %arg6[%dma_start3A_283, %dma_start3A_284, %dma_start3A_285] : memref<5x128x128xf32, #tpu.memory_space<vmem>> -> memref<1x128x128xf32, #tpu.memory_space<vmem>>
        %dma_start3A_287 = tpu.memref_squeeze %dma_start3A_286 : memref<1x128x128xf32, #tpu.memory_space<vmem>> -> memref<128x128xf32, #tpu.memory_space<vmem>>
        %dma_start3A_288 = arith.constant 0 : i32
        %dma_start3A_289 = tpu.memref_slice %arg5[%add3A_282, %dma_start3A_288] : memref<200x128xi32, #tpu.memory_space<vmem>> -> memref<1x128xi32, #tpu.memory_space<vmem>>
        %dma_start3A_290 = tpu.memref_squeeze %dma_start3A_289 : memref<1x128xi32, #tpu.memory_space<vmem>> -> memref<128xi32, #tpu.memory_space<vmem>>
        %dma_start3A_291 = arith.constant 0 : i32
        %dma_start3A_292 = arith.constant 0 : i32
        %dma_start3A_293 = tpu.memref_slice %arg2[%dma_start3A_291, %dma_start3A_292] : memref<100000x128xf32, #tpu.memory_space<hbm>> -> memref<100000x128xf32, #tpu.memory_space<hbm>>
        tpu.enqueue_indirect_dma source(%dma_start3A_293 : memref<100000x128xf32, #tpu.memory_space<hbm>>) target(%dma_start3A_287 : memref<128x128xf32, #tpu.memory_space<vmem>>) offsets(%dma_start3A_290 : memref<128xi32, #tpu.memory_space<vmem>>) semaphore(%arg8 : memref<!tpu.dma_semaphore, #tpu.memory_space<semaphore_mem>>)
      } else {
      }
      %add3A_240 = arith.constant 4 : i32
      %add3A_241 = arith.addi %add3A_79, %add3A_240 : i32
      %dma_wait3A_242 = arith.constant 4 : i32
      %dma_wait3A_243 = arith.constant 0 : i32
      %dma_wait3A_244 = arith.constant 0 : i32
      %dma_wait3A_245 = tpu.memref_slice %arg6[%dma_wait3A_242, %dma_wait3A_243, %dma_wait3A_244] : memref<5x128x128xf32, #tpu.memory_space<vmem>> -> memref<1x128x128xf32, #tpu.memory_space<vmem>>
      %dma_wait3A_246 = tpu.memref_squeeze %dma_wait3A_245 : memref<1x128x128xf32, #tpu.memory_space<vmem>> -> memref<128x128xf32, #tpu.memory_space<vmem>>
      %dma_wait3A_247 = arith.constant 0 : i32
      %dma_wait3A_248 = tpu.memref_slice %arg5[%add3A_241, %dma_wait3A_247] : memref<200x128xi32, #tpu.memory_space<vmem>> -> memref<1x128xi32, #tpu.memory_space<vmem>>
      %dma_wait3A_249 = tpu.memref_squeeze %dma_wait3A_248 : memref<1x128xi32, #tpu.memory_space<vmem>> -> memref<128xi32, #tpu.memory_space<vmem>>
      %dma_wait3A_250 = arith.constant 0 : i32
      %dma_wait3A_251 = arith.constant 0 : i32
      %dma_wait3A_252 = tpu.memref_slice %arg2[%dma_wait3A_250, %dma_wait3A_251] : memref<100000x128xf32, #tpu.memory_space<hbm>> -> memref<100000x128xf32, #tpu.memory_space<hbm>>
      tpu.wait_indirect_dma semaphore(%arg11 : memref<!tpu.dma_semaphore, #tpu.memory_space<semaphore_mem>>) src(%dma_wait3A_252 : memref<100000x128xf32, #tpu.memory_space<hbm>>) dst(%dma_wait3A_246 : memref<128x128xf32, #tpu.memory_space<vmem>>)
      %add3A_253 = arith.addi %mul3A_2, %add3A_241 : i32
      %mul3A_254 = arith.constant 128 : i32
      %mul3A_255 = arith.muli %add3A_253, %mul3A_254 : i32
      %dma_start3A_256 = arith.constant 4 : i32
      %dma_start3A_257 = arith.constant 0 : i32
      %dma_start3A_258 = arith.constant 0 : i32
      %dma_start3A_259 = tpu.memref_slice %arg6[%dma_start3A_256, %dma_start3A_257, %dma_start3A_258] : memref<5x128x128xf32, #tpu.memory_space<vmem>> -> memref<1x128x128xf32, #tpu.memory_space<vmem>>
      %dma_start3A_260 = tpu.memref_squeeze %dma_start3A_259 : memref<1x128x128xf32, #tpu.memory_space<vmem>> -> memref<128x128xf32, #tpu.memory_space<vmem>>
      %dma_start3A_261 = arith.constant 0 : i32
      %dma_start3A_262 = tpu.memref_slice %arg4[%mul3A_255, %dma_start3A_261] : memref<819200x128xf32, #tpu.memory_space<hbm>> -> memref<128x128xf32, #tpu.memory_space<hbm>>
      %dma_start3A_263 = arith.constant 0 : i32
      %dma_start3A_264 = tpu.memref_slice %arg4[%mul3A_255, %dma_start3A_263] : memref<819200x128xf32, #tpu.memory_space<hbm>> -> memref<128x128xf32, #tpu.memory_space<hbm>>
      %dma_start3A_265 = arith.constant 0 : i32
      %dma_start3A_266 = arith.constant 0 : i32
      %dma_start3A_267 = tpu.memref_slice %arg6[%dma_start3A_256, %dma_start3A_265, %dma_start3A_266] : memref<5x128x128xf32, #tpu.memory_space<vmem>> -> memref<1x128x128xf32, #tpu.memory_space<vmem>>
      %dma_start3A_268 = tpu.memref_squeeze %dma_start3A_267 : memref<1x128x128xf32, #tpu.memory_space<vmem>> -> memref<128x128xf32, #tpu.memory_space<vmem>>
      tpu.enqueue_dma source(%dma_start3A_268 : memref<128x128xf32, #tpu.memory_space<vmem>>) target(%dma_start3A_264 : memref<128x128xf32, #tpu.memory_space<hbm>>) target_semaphore(%arg16 : memref<!tpu.dma_semaphore, #tpu.memory_space<semaphore_mem>>)
      %ge3A_269 = arith.constant 2 : i32
      %ge3A_270 = arith.cmpi sge, %add3A_241, %ge3A_269 : i32
      %convert_element_type3A_271 = arith.extui %ge3A_270 : i1 to i32
      %cond3A_272 = arith.constant 0 : i32
      %cond3A_273 = arith.cmpi ne, %convert_element_type3A_271, %cond3A_272 : i32
      scf.if %cond3A_273 {
        %sub3A = arith.constant 2 : i32
        %sub3A_281 = arith.subi %add3A_241, %sub3A : i32
        %add3A_282 = arith.addi %mul3A_2, %sub3A_281 : i32
        %mul3A_283 = arith.constant 128 : i32
        %mul3A_284 = arith.muli %add3A_282, %mul3A_283 : i32
        %dma_wait3A_285 = arith.constant 2 : i32
        %dma_wait3A_286 = arith.constant 0 : i32
        %dma_wait3A_287 = arith.constant 0 : i32
        %dma_wait3A_288 = tpu.memref_slice %arg6[%dma_wait3A_285, %dma_wait3A_286, %dma_wait3A_287] : memref<5x128x128xf32, #tpu.memory_space<vmem>> -> memref<1x128x128xf32, #tpu.memory_space<vmem>>
        %dma_wait3A_289 = tpu.memref_squeeze %dma_wait3A_288 : memref<1x128x128xf32, #tpu.memory_space<vmem>> -> memref<128x128xf32, #tpu.memory_space<vmem>>
        %dma_wait3A_290 = arith.constant 0 : i32
        %dma_wait3A_291 = tpu.memref_slice %arg4[%mul3A_284, %dma_wait3A_290] : memref<819200x128xf32, #tpu.memory_space<hbm>> -> memref<128x128xf32, #tpu.memory_space<hbm>>
        %dma_wait3A_292 = arith.constant 0 : i32
        %dma_wait3A_293 = tpu.memref_slice %arg4[%mul3A_284, %dma_wait3A_292] : memref<819200x128xf32, #tpu.memory_space<hbm>> -> memref<128x128xf32, #tpu.memory_space<hbm>>
        %dma_wait3A_294 = arith.constant 0 : i32
        %dma_wait3A_295 = arith.constant 0 : i32
        %dma_wait3A_296 = tpu.memref_slice %arg6[%dma_wait3A_285, %dma_wait3A_294, %dma_wait3A_295] : memref<5x128x128xf32, #tpu.memory_space<vmem>> -> memref<1x128x128xf32, #tpu.memory_space<vmem>>
        %dma_wait3A_297 = tpu.memref_squeeze %dma_wait3A_296 : memref<1x128x128xf32, #tpu.memory_space<vmem>> -> memref<128x128xf32, #tpu.memory_space<vmem>>
        tpu.wait_dma2 semaphore(%arg14 : memref<!tpu.dma_semaphore, #tpu.memory_space<semaphore_mem>>) src(%dma_wait3A_297 : memref<128x128xf32, #tpu.memory_space<vmem>>) dst(%dma_wait3A_293 : memref<128x128xf32, #tpu.memory_space<hbm>>)
      } else {
      }
      %add3A_274 = arith.constant 3 : i32
      %add3A_275 = arith.addi %add3A_241, %add3A_274 : i32
      %lt3A_276 = arith.constant 200 : i32
      %lt3A_277 = arith.cmpi slt, %add3A_275, %lt3A_276 : i32
      %convert_element_type3A_278 = arith.extui %lt3A_277 : i1 to i32
      %cond3A_279 = arith.constant 0 : i32
      %cond3A_280 = arith.cmpi ne, %convert_element_type3A_278, %cond3A_279 : i32
      scf.if %cond3A_280 {
        %add3A_281 = arith.constant 3 : i32
        %add3A_282 = arith.addi %add3A_241, %add3A_281 : i32
        %dma_start3A_283 = arith.constant 2 : i32
        %dma_start3A_284 = arith.constant 0 : i32
        %dma_start3A_285 = arith.constant 0 : i32
        %dma_start3A_286 = tpu.memref_slice %arg6[%dma_start3A_283, %dma_start3A_284, %dma_start3A_285] : memref<5x128x128xf32, #tpu.memory_space<vmem>> -> memref<1x128x128xf32, #tpu.memory_space<vmem>>
        %dma_start3A_287 = tpu.memref_squeeze %dma_start3A_286 : memref<1x128x128xf32, #tpu.memory_space<vmem>> -> memref<128x128xf32, #tpu.memory_space<vmem>>
        %dma_start3A_288 = arith.constant 0 : i32
        %dma_start3A_289 = tpu.memref_slice %arg5[%add3A_282, %dma_start3A_288] : memref<200x128xi32, #tpu.memory_space<vmem>> -> memref<1x128xi32, #tpu.memory_space<vmem>>
        %dma_start3A_290 = tpu.memref_squeeze %dma_start3A_289 : memref<1x128xi32, #tpu.memory_space<vmem>> -> memref<128xi32, #tpu.memory_space<vmem>>
        %dma_start3A_291 = arith.constant 0 : i32
        %dma_start3A_292 = arith.constant 0 : i32
        %dma_start3A_293 = tpu.memref_slice %arg2[%dma_start3A_291, %dma_start3A_292] : memref<100000x128xf32, #tpu.memory_space<hbm>> -> memref<100000x128xf32, #tpu.memory_space<hbm>>
        tpu.enqueue_indirect_dma source(%dma_start3A_293 : memref<100000x128xf32, #tpu.memory_space<hbm>>) target(%dma_start3A_287 : memref<128x128xf32, #tpu.memory_space<vmem>>) offsets(%dma_start3A_290 : memref<128xi32, #tpu.memory_space<vmem>>) semaphore(%arg9 : memref<!tpu.dma_semaphore, #tpu.memory_space<semaphore_mem>>)
      } else {
      }
    }
    %scan3A_41 = arith.constant 40 : i32
    %add3A_42 = arith.constant 198 : i32
    %add3A_43 = arith.addi %mul3A_2, %add3A_42 : i32
    %mul3A_44 = arith.constant 128 : i32
    %mul3A_45 = arith.muli %add3A_43, %mul3A_44 : i32
    %dma_wait3A = arith.constant 3 : i32
    %dma_wait3A_46 = arith.constant 0 : i32
    %dma_wait3A_47 = arith.constant 0 : i32
    %dma_wait3A_48 = tpu.memref_slice %arg6[%dma_wait3A, %dma_wait3A_46, %dma_wait3A_47] : memref<5x128x128xf32, #tpu.memory_space<vmem>> -> memref<1x128x128xf32, #tpu.memory_space<vmem>>
    %dma_wait3A_49 = tpu.memref_squeeze %dma_wait3A_48 : memref<1x128x128xf32, #tpu.memory_space<vmem>> -> memref<128x128xf32, #tpu.memory_space<vmem>>
    %dma_wait3A_50 = arith.constant 0 : i32
    %dma_wait3A_51 = tpu.memref_slice %arg4[%mul3A_45, %dma_wait3A_50] : memref<819200x128xf32, #tpu.memory_space<hbm>> -> memref<128x128xf32, #tpu.memory_space<hbm>>
    %dma_wait3A_52 = arith.constant 0 : i32
    %dma_wait3A_53 = tpu.memref_slice %arg4[%mul3A_45, %dma_wait3A_52] : memref<819200x128xf32, #tpu.memory_space<hbm>> -> memref<128x128xf32, #tpu.memory_space<hbm>>
    %dma_wait3A_54 = arith.constant 0 : i32
    %dma_wait3A_55 = arith.constant 0 : i32
    %dma_wait3A_56 = tpu.memref_slice %arg6[%dma_wait3A, %dma_wait3A_54, %dma_wait3A_55] : memref<5x128x128xf32, #tpu.memory_space<vmem>> -> memref<1x128x128xf32, #tpu.memory_space<vmem>>
    %dma_wait3A_57 = tpu.memref_squeeze %dma_wait3A_56 : memref<1x128x128xf32, #tpu.memory_space<vmem>> -> memref<128x128xf32, #tpu.memory_space<vmem>>
    tpu.wait_dma2 semaphore(%arg15 : memref<!tpu.dma_semaphore, #tpu.memory_space<semaphore_mem>>) src(%dma_wait3A_57 : memref<128x128xf32, #tpu.memory_space<vmem>>) dst(%dma_wait3A_53 : memref<128x128xf32, #tpu.memory_space<hbm>>)
    %add3A_58 = arith.constant 199 : i32
    %add3A_59 = arith.addi %mul3A_2, %add3A_58 : i32
    %mul3A_60 = arith.constant 128 : i32
    %mul3A_61 = arith.muli %add3A_59, %mul3A_60 : i32
    %dma_wait3A_62 = arith.constant 4 : i32
    %dma_wait3A_63 = arith.constant 0 : i32
    %dma_wait3A_64 = arith.constant 0 : i32
    %dma_wait3A_65 = tpu.memref_slice %arg6[%dma_wait3A_62, %dma_wait3A_63, %dma_wait3A_64] : memref<5x128x128xf32, #tpu.memory_space<vmem>> -> memref<1x128x128xf32, #tpu.memory_space<vmem>>
    %dma_wait3A_66 = tpu.memref_squeeze %dma_wait3A_65 : memref<1x128x128xf32, #tpu.memory_space<vmem>> -> memref<128x128xf32, #tpu.memory_space<vmem>>
    %dma_wait3A_67 = arith.constant 0 : i32
    %dma_wait3A_68 = tpu.memref_slice %arg4[%mul3A_61, %dma_wait3A_67] : memref<819200x128xf32, #tpu.memory_space<hbm>> -> memref<128x128xf32, #tpu.memory_space<hbm>>
    %dma_wait3A_69 = arith.constant 0 : i32
    %dma_wait3A_70 = tpu.memref_slice %arg4[%mul3A_61, %dma_wait3A_69] : memref<819200x128xf32, #tpu.memory_space<hbm>> -> memref<128x128xf32, #tpu.memory_space<hbm>>
    %dma_wait3A_71 = arith.constant 0 : i32
    %dma_wait3A_72 = arith.constant 0 : i32
    %dma_wait3A_73 = tpu.memref_slice %arg6[%dma_wait3A_62, %dma_wait3A_71, %dma_wait3A_72] : memref<5x128x128xf32, #tpu.memory_space<vmem>> -> memref<1x128x128xf32, #tpu.memory_space<vmem>>
    %dma_wait3A_74 = tpu.memref_squeeze %dma_wait3A_73 : memref<1x128x128xf32, #tpu.memory_space<vmem>> -> memref<128x128xf32, #tpu.memory_space<vmem>>
    tpu.wait_dma2 semaphore(%arg16 : memref<!tpu.dma_semaphore, #tpu.memory_space<semaphore_mem>>) src(%dma_wait3A_74 : memref<128x128xf32, #tpu.memory_space<vmem>>) dst(%dma_wait3A_70 : memref<128x128xf32, #tpu.memory_space<hbm>>)
    return
  }
}

module attributes {stable_mosaic.version = 14 : i64} {
  func.func @_pack_body(%arg0: i32, %arg1: memref<5000x64xf32, #tpu.memory_space<vmem>>, %arg2: memref<5000x128xf32, #tpu.memory_space<vmem>>) attributes {dimension_semantics = [#tpu.dimension_semantics<parallel>], iteration_bounds = array<i64: 20>, scalar_prefetch = 0 : i64, scratch_operands = 0 : i64, tpu.core_type = #tpu.core_type<tc>, window_params = [{transform_indices = @transform_0, window_bounds = array<i64: 5000, 64>}, {transform_indices = @transform_1, window_bounds = array<i64: 5000, 128>}]} {
    %get3A = arith.constant 0 : index
    %get3A_0 = arith.constant 0 : index
    %get3A_1 = vector.load %arg1[%get3A, %get3A_0] : memref<5000x64xf32, #tpu.memory_space<vmem>>, vector<5000x64xf32>
    %broadcast_in_dim3A = arith.constant 0.000000e+00 : f32
    %broadcast_in_dim3A_2 = vector.broadcast %broadcast_in_dim3A : f32 to vector<5000x64xf32>
    %concatenate3A = tpu.concatenate %get3A_1, %broadcast_in_dim3A_2 in 1 : vector<5000x64xf32>, vector<5000x64xf32> -> vector<5000x128xf32>
    %swap3A = arith.constant 0 : index
    %swap3A_3 = arith.constant 0 : index
    %swap3A_4 = vector.load %arg2[%swap3A, %swap3A_3] : memref<5000x128xf32, #tpu.memory_space<vmem>>, vector<5000x128xf32>
    tpu.vector_store %arg2[%swap3A, %swap3A_3], %concatenate3A {strides = array<i32>} : memref<5000x128xf32, #tpu.memory_space<vmem>>, vector<5000x128xf32>,
    return
  }
  func.func @transform_0(%arg0: i32) -> (i32, i32) {
    %c0_i32 = arith.constant 0 : i32
    %c0_i32_0 = arith.constant 0 : i32
    return %arg0, %c0_i32 : i32, i32
  }
  func.func @transform_1(%arg0: i32) -> (i32, i32) {
    %c0_i32 = arith.constant 0 : i32
    %c0_i32_0 = arith.constant 0 : i32
    return %arg0, %c0_i32 : i32, i32
  }
}

module attributes {stable_mosaic.version = 14 : i64} {
  func.func @_mask_body(%arg0: memref<4096x200xi32, #tpu.memory_space<vmem>>, %arg1: memref<4096x200xf32, #tpu.memory_space<vmem>>) attributes {dimension_semantics = [], scalar_prefetch = 0 : i64, scratch_operands = 0 : i64, tpu.core_type = #tpu.core_type<tc>} {
    %get3A = arith.constant 0 : index
    %get3A_0 = arith.constant 0 : index
    %get3A_1 = vector.load %arg0[%get3A, %get3A_0] : memref<4096x200xi32, #tpu.memory_space<vmem>>, vector<4096x200xi32>
    %ne3A = arith.constant 0 : i32
    %ne3A_2 = vector.broadcast %ne3A : i32 to vector<4096x200xi32>
    %ne3A_3 = arith.cmpi ne, %get3A_1, %ne3A_2 : vector<4096x200xi32>
    %convert_element_type3A = arith.extui %ne3A_3 : vector<4096x200xi1> to vector<4096x200xi32>
    %convert_element_type3A_4 = arith.sitofp %convert_element_type3A : vector<4096x200xi32> to vector<4096x200xf32>
    %swap3A = arith.constant 0 : index
    %swap3A_5 = arith.constant 0 : index
    %swap3A_6 = vector.load %arg1[%swap3A, %swap3A_5] : memref<4096x200xf32, #tpu.memory_space<vmem>>, vector<4096x200xf32>
    tpu.vector_store %arg1[%swap3A, %swap3A_5], %convert_element_type3A_4 {strides = array<i32>} : memref<4096x200xf32, #tpu.memory_space<vmem>>, vector<4096x200xf32>,
    return
  }
}

module attributes {stable_mosaic.version = 14 : i64} {
  func.func @_finish_body(%arg0: i32, %arg1: memref<12800x128xf32, #tpu.memory_space<vmem>>, %arg2: memref<200x64xf32, #tpu.memory_space<vmem>>, %arg3: memref<64x200x64xf32, #tpu.memory_space<vmem>>) attributes {dimension_semantics = [#tpu.dimension_semantics<parallel>], iteration_bounds = array<i64: 64>, scalar_prefetch = 0 : i64, scratch_operands = 0 : i64, tpu.core_type = #tpu.core_type<tc>, window_params = [{transform_indices = @transform_0, window_bounds = array<i64: 12800, 128>}, {pipeline_mode = #tpu.pipeline_mode<synchronous>, transform_indices = @transform_1, window_bounds = array<i64: 200, 64>}, {transform_indices = @transform_2, window_bounds = array<i64: 64, 200, 64>}]} {
    %get3A = arith.constant 0 : index
    %get3A_0 = arith.constant 0 : index
    %get3A_1 = vector.load %arg1[%get3A, %get3A_0] : memref<12800x128xf32, #tpu.memory_space<vmem>>, vector<12800x128xf32>
    %reshape3A = vector.shape_cast %get3A_1 : vector<12800x128xf32> to vector<64x200x128xf32>
    %slice3A = vector.extract_strided_slice %reshape3A {offsets = [0, 0, 0], sizes = [64, 200, 64], strides = [1, 1, 1]} : vector<64x200x128xf32> to vector<64x200x64xf32>
    %get3A_2 = arith.constant 0 : index
    %get3A_3 = arith.constant 0 : index
    %get3A_4 = vector.load %arg2[%get3A_2, %get3A_3] : memref<200x64xf32, #tpu.memory_space<vmem>>, vector<200x64xf32>
    %broadcast_in_dim3A = vector.shape_cast %get3A_4 : vector<200x64xf32> to vector<1x200x64xf32>
    %add3A = vector.broadcast %broadcast_in_dim3A : vector<1x200x64xf32> to vector<64x200x64xf32>
    %add3A_5 = arith.addf %slice3A, %add3A : vector<64x200x64xf32>
    %swap3A = arith.constant 0 : index
    %swap3A_6 = arith.constant 0 : index
    %swap3A_7 = arith.constant 0 : index
    %swap3A_8 = vector.load %arg3[%swap3A, %swap3A_6, %swap3A_7] : memref<64x200x64xf32, #tpu.memory_space<vmem>>, vector<64x200x64xf32>
    tpu.vector_store %arg3[%swap3A, %swap3A_6, %swap3A_7], %add3A_5 {strides = array<i32>} : memref<64x200x64xf32, #tpu.memory_space<vmem>>, vector<64x200x64xf32>,
    return
  }
  func.func @transform_0(%arg0: i32) -> (i32, i32) {
    %c0_i32 = arith.constant 0 : i32
    %c0_i32_0 = arith.constant 0 : i32
    return %arg0, %c0_i32 : i32, i32
  }
  func.func @transform_1(%arg0: i32) -> (i32, i32) {
    %c0_i32 = arith.constant 0 : i32
    %c0_i32_0 = arith.constant 0 : i32
    %c0_i32_1 = arith.constant 0 : i32
    return %c0_i32, %c0_i32_0 : i32, i32
  }
  func.func @transform_2(%arg0: i32) -> (i32, i32, i32) {
    %c0_i32 = arith.constant 0 : i32
    %c0_i32_0 = arith.constant 0 : i32
    %c0_i32_1 = arith.constant 0 : i32
    return %arg0, %c0_i32, %c0_i32_0 : i32, i32, i32
  }
}

</mosaic_0001>

<sc_bundles>
// kernel: kernel.6.cloned.1.call-start
scs
__scs_entry_jumppad:
0x0: {  	(pc) =	sbr.rel $0x88, $3  }
0x1: {  	(tag) =	ssettag $0x0;
	lr =	simm.s32 $0x1  }
0x2: {  	[smem:$0x3F9F] =	sst lr;
	_ =	strace $0xD0000000  }
0x3: {  	_ = 	snop  }
0x4: {  	_ = 	snop  }
0x5: {  	_ = 	snop  }
0x6: {  	_ = 	snop  }
0x7: {  	_ = 	snop  }
__scs_overlays_trampoline_lowered:
0x8: {  	[smem:$0x3FAE] =	sst s0  }
0x9: {  	[smem:$0x3FAF] =	sst s1  }
0xa: {  	[smem:$0x3FB0] =	sst s2  }
0xb: {  	[smem:$0x3FB1] =	sst s3  }
0xc: {  	[smem:$0x3FB2] =	sst s4  }
0xd: {  	[smem:$0x3FB3] =	sst s5  }
0xe: {  	[smem:$0x3FB4] =	sst s6  }
0xf: {  	[smem:$0x3FB5] =	sst s7  }
0x10: {  	[smem:$0x3FB6] =	sst s8  }
0x11: {  	[smem:$0x3FB7] =	sst s9;
	s0 =	simm.s32 @!p0 $0x0  }
0x12: {  	s1 =	sld [smem:$0x3F9D];
	s0 =	simm.s32 @p0 $0x1  }
0x13: {  	[smem:$0x3FB8] =	sst s0;
	s0 =	simm.s32 @!p1 $0x0  }
0x14: {  	s2 =	sld [smem:$0x3F9C];
	s0 =	simm.s32 @p1 $0x1  }
0x15: {  	[smem:$0x3FB9] =	sst s0;
	s0 =	simm.s32 @!p2 $0x0  }
0x16: {  	s3 =	sld [smem:$0x3FDB];
	s0 =	simm.s32 @p2 $0x1  }
0x17: {  	s4 =	simm.s32 $0x1BF5;
	[smem:$0x3FBB] =	sst s0  }
0x18: {  	s0 =	sld [smem:$0x3F9E];
	_ =	swait.ge [sflag:s4], $0x0  }
0x19: {  	s7 =	sld [smem:$0x3F9F]  }
0x1a: {  	s8 =	sadd.s32 $0xFFFFE003, lr  }
0x1b: {  	s9 =	sadd.s32 $0xFFFFFEF7, lr;
	s5 =	simm.s32 $0xFFFFFFFF;
	p2 =	slt.u32 s8, $0xFFFFF086  }
0x1c: {  	p1 =	slt.u32 s9, $0xF7A;
	s5 =	simm.s32 @!p2 $0x0  }
0x1d: {  	s5 =	simm.s32 @p1 $0x1;
	p0 =	seq.s32 s7, s2  }
0x1e: {  	s7 =	smul.u32 @!p0 $0xF7A, s2;
	p2 =	seq.s32 @!p0 s5, $0x0  }
0x1f: {  	s9 =	smul.u32 $0xF7A, s1;
	s8 =	simm.s32 @!p0 $0x1BF5;
	p2 =	por !p2, p0  }
0x20: {  	[sflag:s8] =	ssyncset.s32 @!p0 $0xFFFFF086;
	s6 =	sadd.s32 @!p0 s3, s7;
	s7 =	simm.s32 @!p0 $0x108  }
0x21: {  	s3 =	sadd.s32 s3, s9;
	s6 =	sadd.s32 @!p0 $0x88, s6;
	s7 =	simm.s32 @p2 $0x1082  }
0x22: {  	[simem:s7], [sflag:s8] =	dma.local @!p0 [hbm:s6], $0xF7A  }
0x23: {  	s9 =	sor.u32 $0xD0000000, s2;
	s6 =	simm.s32 $0x108;
	_ =	swait.ge @!p0 [sflag:s8], $0x0  }
0x24: {  	s3 =	sadd.s32 $0x88, s3;
	s6 =	simm.s32 @!p1 $0x1082;
	[sflag:s4] =	ssyncset.s32 $0xFFFFF086  }
0x25: {  	[simem:s6], [sflag:s4] =	dma.local [hbm:s3], $0xF7A  }
0x26: {  	[smem:$0x3F9F] =	sst s1;
	(tag) =	ssettag s2;
	_ =	strace s9  }
0x27: {  	s1 =	sld [smem:$0x3FAF]  }
0x28: {  	s2 =	sld [smem:$0x3FB0]  }
0x29: {  	s4 =	sld [smem:$0x3FB2]  }
0x2a: {  	p0 =	seq.s32 s5, $0x0;
	s5 =	sld [smem:$0x3FB3]  }
0x2b: {  	s6 =	sld [smem:$0x3FB4]  }
0x2c: {  	s7 =	sld [smem:$0x3FB5]  }
0x2d: {  	s3 =	simm.s32 $0x108;
	s8 =	sld [smem:$0x3FB6]  }
0x2e: {  	s3 =	simm.s32 @!p0 $0x1082;
	s9 =	sld [smem:$0x3FB7]  }
0x2f: {  	lr =	sadd.s32 s0, s3;
	s0 =	sld [smem:$0x3FAE]  }
0x30: {  	s3 =	sld [smem:$0x3FB1]  }
0x31: {  	[smem:$0x3FBA] =	sst s10  }
0x32: {  	s10 =	sld [smem:$0x3FB8];
	_ =	sdelay $0x3  }
0x33: {  	p0 =	seq.s32 s10, $0x1;
	s10 =	sld [smem:$0x3FBA];
	_ =	sdelay $0x3  }
0x34: {  	[smem:$0x3FBA] =	sst s10  }
0x35: {  	s10 =	sld [smem:$0x3FB9];
	_ =	sdelay $0x3  }
0x36: {  	p1 =	seq.s32 s10, $0x1;
	s10 =	sld [smem:$0x3FBA];
	_ =	sdelay $0x3  }
0x37: {  	[smem:$0x3FBA] =	sst s10  }
0x38: {  	s10 =	sld [smem:$0x3FBB]  }
0x39: {  	_ = 	snop;
	(pc) =	sbr.ind lr, $3  }
0x3a: {  	_ = 	snop  }
0x3b: {  	_ = 	snop  }
0x3c: {  	p2 =	seq.s32 s10, $0x1;
	s10 =	sld [smem:$0x3FBA]  }
0x3d: {  	_ =	shalt  }
0x3e: {  	_ =	shalt  }
0x3f: {  	_ =	shalt  }
0x40: {  	_ =	shalt  }
0x41: {  	_ =	shalt  }
0x42: {  	_ =	shalt  }
0x43: {  	_ =	shalt  }
0x44: {  	_ =	shalt  }
0x45: {  	_ =	shalt  }
0x46: {  	_ =	shalt  }
0x47: {  	_ =	shalt  }
0x48: {  	_ =	shalt  }
0x49: {  	_ =	shalt  }
0x4a: {  	_ =	shalt  }
0x4b: {  	_ =	shalt  }
0x4c: {  	_ =	shalt  }
0x4d: {  	_ =	shalt  }
0x4e: {  	_ =	shalt  }
0x4f: {  	_ =	shalt  }
0x50: {  	_ =	shalt  }
0x51: {  	_ =	shalt  }
0x52: {  	_ =	shalt  }
0x53: {  	_ =	shalt  }
0x54: {  	_ =	shalt  }
0x55: {  	_ =	shalt  }
0x56: {  	_ =	shalt  }
0x57: {  	_ =	shalt  }
0x58: {  	_ =	shalt  }
0x59: {  	_ =	shalt  }
0x5a: {  	_ =	shalt  }
0x5b: {  	_ =	shalt  }
0x5c: {  	_ =	shalt  }
0x5d: {  	_ =	shalt  }
0x5e: {  	_ =	shalt  }
0x5f: {  	_ =	shalt  }
0x60: {  	_ =	shalt  }
0x61: {  	_ =	shalt  }
0x62: {  	_ =	shalt  }
0x63: {  	_ =	shalt  }
0x64: {  	_ =	shalt  }
0x65: {  	_ =	shalt  }
0x66: {  	_ =	shalt  }
0x67: {  	_ =	shalt  }
0x68: {  	_ =	shalt  }
0x69: {  	_ =	shalt  }
0x6a: {  	_ =	shalt  }
0x6b: {  	_ =	shalt  }
0x6c: {  	_ =	shalt  }
0x6d: {  	_ =	shalt  }
0x6e: {  	_ =	shalt  }
0x6f: {  	_ =	shalt  }
0x70: {  	_ =	shalt  }
0x71: {  	_ =	shalt  }
0x72: {  	_ =	shalt  }
0x73: {  	_ =	shalt  }
0x74: {  	_ =	shalt  }
0x75: {  	_ =	shalt  }
0x76: {  	_ =	shalt  }
0x77: {  	_ =	shalt  }
0x78: {  	_ =	shalt  }
0x79: {  	_ =	shalt  }
0x7a: {  	_ =	shalt  }
0x7b: {  	_ =	shalt  }
0x7c: {  	_ =	shalt  }
0x7d: {  	_ =	shalt  }
0x7e: {  	_ =	shalt  }
0x7f: {  	_ =	shalt  }
0x80: {  	_ =	shalt  }
0x81: {  	_ =	shalt  }
0x82: {  	_ =	shalt  }
0x83: {  	_ =	shalt  }
0x84: {  	_ =	shalt  }
0x85: {  	_ =	shalt  }
0x86: {  	_ =	shalt  }
0x87: {  	_ =	shalt  }
.Lfunc_end0:
.L_simem_size_0:
called_computation_lowered:
.L_overlay_start_0:
0x88: {  	s2 =	sld [smem:$0x3FD9]  }
0x89: {  	s3 =	sld [smem:$0x3FFE];
	_ =	sdelay $0x1  }
0x8a: {  	s1 =	srdreg.scid  }
0x8b: {  	s0 =	sand.u32 $0x1, s1  }
0x8c: {  	s16 =	sshll.u32 s0, $0xA;
	s2 =	sadd.s32 s3, s2  }
0x8d: {  	s2 =	sadd.s32 s2, s16  }
0x8e: {  	[smem:$0x3FC6] =	sst s2  }
0x8f: {  	_ = 	snop  }
0x90: {  	(tm) =	ssettm $0x1  }
0x91: {  	s17 =	sld [smem:$0x3FFB];
	_ =	sdelay $0x3  }
0x92: {  	_ =	strace s17  }
0x93: {  	s2 =	sld [smem:$0x3FFC];
	_ =	sdelay $0x3  }
0x94: {  	_ =	strace s2  }
0x95: {  	s2 =	sld [smem:$0x3FFD];
	_ =	sdelay $0x3  }
0x96: {  	_ =	strace s2  }
0x97: {  	_ =	strace $0x8FFFFFFF  }
0x98: {  	s18 =	sld [smem:$0x3FDB];
	_ =	sdelay $0x1  }
0x99: {  	s19 =	simm.s32 $_scs_section_size  }
0x9a: {  	s4 =	simm.s32 $_size__tile_overlayer_lowered;
	s5 =	simm.s32 $_tile_overlayer_lowered  }
0x9b: {  	s22 =	simm.s32 $0x1BFF;
	s21 =	sshll.u32 s5, $0x1;
	s2 =	sadd.s32 s19, s18  }
0x9c: {  	s6 =	simm.s32 $0x0;
	s20 =	sshll.u32 s4, $0x1;
	s4 =	sadd.s32 s21, s2  }
0x9d: {  	[timem:s6], [sflag:s22] =	dma.local [hbm:s4], s20  }
0x9e: {  	_ =	swait.ge [sflag:s22], s20  }
0x9f: {  	s3 =	ssub.s32 $0x0, s20;
	[sflag:s22] =	ssyncset.done $0x0  }
0xa0: {  	[sflag:s22] =	ssyncadd.s32 s3;
	_ =	sdelay $0x1  }
0xa1: {  	s23 =	simm.s32 $0x1B8B  }
0xa2: {  	_ =	swait.ge [sflag:s23], $0x1  }
0xa3: {  	[sflag:s23] =	ssyncset.done $0x0  }
0xa4: {  	s25 =	simm.s32 $0x1B8E;
	s24 =	sld [smem:$0x3FFE];
	[sflag:s23] =	ssyncadd.s32 $0xFFFFFFFF  }
0xa5: {  	s26 =	simm.s32 $execute0_lowered;
	[smem:$0x3FD2] =	sst s25  }
0xa6: {  	s4 =	sshll.u32 s26, $0x1;
	_ =	strace $0x80000046;
	[dreg:$0x1] =	wrdreg $0xFFFFFFFF  }
0xa7: {  	s28 =	simm.s32 $_size_execute0_lowered;
	s2 =	sadd.s32 s2, s4;
	[dreg:$0x0] =	wrdreg $0x0  }
0xa8: {  	s4 =	sshll.u32 s28, $0x1;
	[dreg:$0x2] =	wrdreg s2  }
0xa9: {  	[dreg:$0x3] =	wrdreg s4  }
0xaa: {  	[dreg:$0x4] =	wrdreg $0xC0  }
0xab: {  	_ =	task [dreg:s6], $0x5FFFF  }
0xac: {  	[dreg:$0x1] =	wrdreg $0xFFFFFFFF  }
0xad: {  	[dreg:$0x0] =	wrdreg $0x60  }
0xae: {  	[dreg:$0x2] =	wrdreg s24  }
0xaf: {  	[dreg:$0x3] =	wrdreg $0x9  }
0xb0: {  	_ =	task.clear_ibuf [dreg:s6], $0x4FFFF;
	_ =	strace $0x90000046  }
0xb1: {  	s29 =	simm.s32 $0x9;
	_ =	strace $0x80000048  }
0xb2: {  	_ =	swait.ge [sflag:s29], $0x1  }
0xb3: {  	[sflag:s29] =	ssyncadd.s32 $0xFFFFFFFF  }
0xb4: {  	_ =	strace $0x90000048  }
0xb5: {  	_ =	sfence  }
0xb6: {  	s30 =	sld [smem:$0x0];
	_ =	sdelay $0x2  }
0xb7: {  	s31 =	sshll.u32 s1, $0xD;
	s1 =	sshrl.u32 s1, $0x2  }
0xb8: {  	s3 =	sand.u32 $0x4000, s31;
	s1 =	sadd.s32 s1, s30  }
0xb9: {  	s0 =	sor.u32 s3, s0;
	s1 =	sshll.u32 s1, $0x11  }
0xba: {  	s0 =	sor.u32 s1, s0  }
0xbb: {  	s0 =	sadd.s32 $0x8F2B, s0  }
0xbc: {  	[sflag:s0] =	ssyncadd.remote.s32 $0x1  }
0xbd: {  	_ =	sfence.sel $0xFFFF  }
0xbe: {  	[dreg:$0x0] =	wrdreg $0xFFFFFFFF;
	(pc) =	sbr.abs _section_cstart, $3  }
0xbf: {  	[dreg:$0x1] =	wrdreg $0xFFFFFFFF  }
0xc0: {  	_ =	task.clear_ibuf [dreg:s6], $0x2FFFF;
	_ =	strace $0x9FFFFFFF  }
0xc1: {  	(tm) =	ssettm $0x7FFFFFFF  }
tec
execute0_lowered:
.L_overlay_start_1:
0x0: {  	(tag) =	ssettag $0x1  }
0x1: {  	s1 =	srdreg.scid  }
0x2: {  	s0 =	stileid.u32;
	s4 =	rddreg [dreg:$0x0];
	s2 =	simm.s32 $0x0  }
0x3: {  	s12 =	simm.s32 $0xA400;
	s14 =	simm.s32 $0xE400;
	s15 =	simm.s32 $0x1  }
0x4: {  	s16 =	simm.s32 $0x12400;
	s17 =	simm.s32 $0x2;
	s18 =	simm.s32 $0x16400  }
0x5: {  	s19 =	simm.s32 $0x3;
	s20 =	simm.s32 $0x6;
	s21 =	simm.s32 $0x4  }
0x6: {  	s22 =	simm.s32 $0x7;
	s23 =	simm.s32 $0x5;
	s24 =	simm.s32 $0x8  }
0x7: {  	s25 =	simm.s32 $0x9;
	s26 =	simm.s32 $0xA;
	s7 =	smul.u32 $0x190, s0  }
0x8: {  	s28 =	simm.s32 $0x0;
	s5 =	sand.u32 $0x1, s1;
	s11 =	smul.u32 $0xC8000, s0  }
0x9: {  	s3 =	sshll.u32 s0, $0x1;
	[smem:$0x7FF] =	sst s2;
	s9 =	smul.u32 $0xC8, s5  }
0xa: {  	s29 =	sadd.s32 $0x1C0400, s4;
	s3 =	sor.u32 s5, s3;
	s30 =	smul.u32 $0x64000, s5  }
0xb: {  	_ =	strace $0x80000047;
	s8 =	ssub.s32 $0x2, s5;
	s6 =	smul.u32 $0xC80, s3  }
.Ltmp0:
0xc: {  	[dreg:$0x2] =	wrdreg s29;
	s10 =	sshrl.u32 s8, $0x1;
	(pc) =	sbr.rel .LBB2_1-.Ltmp0, $4  }
0xd: {  	s3 =	sadd.s32 $0x39A00, s4;
	s8 =	ssub.s32 s8, s10;
	s7 =	sadd.s32 s9, s7  }
0xe: {  	s9 =	simm.s32 $0xB;
	s10 =	simm.s32 $0x80;
	s6 =	sadd.s32 s6, s4  }
0xf: {  	s7 =	sshll.u32 s7, $0xB;
	s31 =	sadd.s32 $0x20A00, s6;
	s6 =	smax.u32 s8, $0x1  }
0x10: {  	s8 =	sadd.s32 s30, s11;
	s11 =	simm.s32 $0x6400;
	[dreg:$0x3] =	wrdreg s31  }
.LBB2_4:
0x11: {  	s28 =	sadd.s32 $0x1, s28  }
0x12: {  	_ =	swait.ge [sflag:s25], $0x4000;
	p0 =	sne.s32 s28, s6  }
.Ltmp1:
0x13: {  	[sflag:s25] =	ssyncset.done $0x0;
	(pc) =	sbr.rel @!p0 .LBB2_5-.Ltmp1, $4  }
0x14: {  	[sflag:s25] =	ssyncadd.s32 $0xFFFFC000  }
0x15: {  	_ =	swait.ge [sflag:s26], $0x4000  }
0x16: {  	[sflag:s26] =	ssyncset.done $0x0  }
0x17: {  	[sflag:s26] =	ssyncadd.s32 $0xFFFFC000  }
.LBB2_1:
0x18: {  	s0 =	rddreg [dreg:$0x3]  }
0x19: {  	[tilespmem:s2], [sflag:$0xB] =	stream.linear.gather [hbm4b:s0+s2], $0x6400, $0x38;
	[tilespmem:$0x1A400] =	vst v63  }
0x1a: {  	_ =	swait.ge [sflag:s9], $0x6400  }
0x1b: {  	[sflag:s9] =	ssyncset.done $0x0  }
0x1c: {  	[sflag:s9] =	ssyncadd.s32 $0xFFFF9C00  }
0x1d: {  	[tilespmem:s11], [sflag:$0x1] =	stream.indirect.gather [hbm4b:s3+s10], $0x80, s2, s10, $0xb8;
	[tilespmem:$0x1A400] =	vst v63  }
0x1e: {  	_ = 	snop  }
0x1f: {  	[tilespmem:s12], [sflag:$0x2] =	stream.indirect.gather [hbm4b:s3+s10], $0x80, s10, s10, $0xb8;
	[tilespmem:$0x1A400] =	vst v63  }
0x20: {  	s31 =	simm.s32 $0x100;
	s30 =	simm.s32 $0x0;
	s29 =	rddreg [dreg:$0x2]  }
0x21: {  	[tilespmem:s14], [sflag:$0x3] =	stream.indirect.gather [hbm4b:s3+s10], $0x80, s31, s10, $0xb8;
	[tilespmem:$0x1A400] =	vst v63  }
.LBB2_2:
0x22: {  	_ =	swait.ge [sflag:s15], $0x4000  }
0x23: {  	p0 =	seq.s32 s30, $0x0;
	[sflag:s15] =	ssyncset.done $0x0  }
0x24: {  	s31 =	sadd.s32 s29, s8;
	s1 =	simm.s32 @!p0 $0x9;
	[sflag:s15] =	ssyncadd.s32 $0xFFFFC000  }
0x25: {  	[hbm4b:s31+s2] =	stream.linear.scatter [tilespmem:s11], [sflag:$0x6], $0x4000, $0x38;
	[tilespmem:$0x1A400] =	vst v63  }
0x26: {  	_ =	swait.ge @!p0 [sflag:s1], $0x4000  }
0x27: {  	s31 =	sshra.s32 s30, $0x2;
	[sflag:s1] =	ssyncset.done @!p0 $0x0  }
0x28: {  	s0 =	sadd.s32 $0x180, s31;
	[sflag:s1] =	ssyncadd.s32 @!p0 $0xFFFFC000  }
0x29: {  	[tilespmem:s16], [sflag:$0x4] =	stream.indirect.gather [hbm4b:s3+s10], $0x80, s0, s10, $0xb8;
	[tilespmem:$0x1A400] =	vst v63  }
0x2a: {  	_ =	swait.ge [sflag:s17], $0x4000  }
0x2b: {  	s1 =	sadd.s32 s29, s7;
	[sflag:s17] =	ssyncset.done $0x0  }
0x2c: {  	s0 =	sadd.s32 $0x800, s1;
	[sflag:s17] =	ssyncadd.s32 $0xFFFFC000  }
0x2d: {  	[hbm4b:s0+s2] =	stream.linear.scatter [tilespmem:s12], [sflag:$0x7], $0x4000, $0x38;
	[tilespmem:$0x1A400] =	vst v63  }
0x2e: {  	s0 =	simm.s32 @!p0 $0xA  }
0x2f: {  	_ =	swait.ge @!p0 [sflag:s0], $0x4000  }
0x30: {  	[sflag:s0] =	ssyncset.done @!p0 $0x0  }
0x31: {  	s4 =	sadd.s32 $0x200, s31;
	[sflag:s0] =	ssyncadd.s32 @!p0 $0xFFFFC000  }
0x32: {  	[tilespmem:s18], [sflag:$0x5] =	stream.indirect.gather [hbm4b:s3+s10], $0x80, s4, s10, $0xb8;
	[tilespmem:$0x1A400] =	vst v63  }
0x33: {  	_ =	swait.ge [sflag:s19], $0x4000  }
0x34: {  	[sflag:s19] =	ssyncset.done $0x0  }
0x35: {  	s5 =	sadd.s32 $0x1000, s1;
	[sflag:s19] =	ssyncadd.s32 $0xFFFFC000  }
0x36: {  	[hbm4b:s5+s2] =	stream.linear.scatter [tilespmem:s14], [sflag:$0x8], $0x4000, $0x38;
	[tilespmem:$0x1A400] =	vst v63  }
0x37: {  	p0 =	seq.s32 s30, $0x18600;
	_ =	swait.ge [sflag:s20], $0x4000  }
0x38: {  	s0 =	sshra.s32 @!p0 s30, $0x2;
	s4 =	simm.s32 @!p0 $0x80;
	[sflag:s20] =	ssyncset.done $0x0  }
0x39: {  	s13 =	sadd.s32 @!p0 $0x280, s0;
	s5 =	simm.s32 @!p0 $0x6400;
	[sflag:s20] =	ssyncadd.s32 $0xFFFFC000  }
0x3a: {  	[tilespmem:s5], [sflag:$0x1] =	stream.indirect.gather @!p0 [hbm4b:s3+s4], $0x80, s13, s4, $0xb8;
	[tilespmem:$0x1A400] =	vst v63  }
0x3b: {  	_ =	swait.ge [sflag:s21], $0x4000  }
0x3c: {  	[sflag:s21] =	ssyncset.done $0x0  }
0x3d: {  	s13 =	sadd.s32 $0x1800, s1;
	[sflag:s21] =	ssyncadd.s32 $0xFFFFC000  }
0x3e: {  	[hbm4b:s13+s2] =	stream.linear.scatter [tilespmem:s16], [sflag:$0x9], $0x4000, $0x38;
	[tilespmem:$0x1A400] =	vst v63  }
0x3f: {  	_ =	swait.ge [sflag:s22], $0x4000  }
0x40: {  	[sflag:s22] =	ssyncset.done $0x0  }
0x41: {  	s0 =	sadd.s32 @!p0 $0x300, s0;
	s5 =	simm.s32 @!p0 $0xA400;
	[sflag:s22] =	ssyncadd.s32 $0xFFFFC000  }
0x42: {  	[tilespmem:s5], [sflag:$0x2] =	stream.indirect.gather @!p0 [hbm4b:s3+s4], $0x80, s0, s4, $0xb8;
	[tilespmem:$0x1A400] =	vst v63  }
0x43: {  	_ =	swait.ge [sflag:s23], $0x4000  }
0x44: {  	[sflag:s23] =	ssyncset.done $0x0  }
.Ltmp2:
0x45: {  	s13 =	sadd.s32 $0x2000, s1;
	[sflag:s23] =	ssyncadd.s32 $0xFFFFC000;
	(pc) =	sbr.rel @p0 .LBB2_4-.Ltmp2, $4  }
0x46: {  	[hbm4b:s13+s2] =	stream.linear.scatter [tilespmem:s18], [sflag:$0xA], $0x4000, $0x38;
	[tilespmem:$0x1A400] =	vst v63  }
0x47: {  	_ =	swait.ge [sflag:s24], $0x4000  }
0x48: {  	[sflag:s24] =	ssyncset.done $0x0  }
0x49: {  	[sflag:s24] =	ssyncadd.s32 $0xFFFFC000  }
.Ltmp3:
0x4a: {  	(pc) =	sbr.rel .LBB2_2-.Ltmp3, $3  }
0x4b: {  	_ =	sdelay $0x1  }
0x4c: {  	s0 =	sadd.s32 $0x380, s31;
	s30 =	sadd.s32 $0xA00, s30;
	s29 =	sadd.s32 $0x2800, s29  }
0x4d: {  	[tilespmem:s14], [sflag:$0x3] =	stream.indirect.gather [hbm4b:s3+s10], $0x80, s0, s10, $0xb8;
	[tilespmem:$0x1A400] =	vst v63  }
.LBB2_5:
0x4e: {  	_ =	sfence.sel $0x180000  }
0x4f: {  	[bflag:$0x0] =	sbarrier.arrive $0xFFFF  }
0x50: {  	_ =	strace $0x90000047  }
0x51: {  	s0 =	stileid.u32;
	[bflag:$0x2] =	sbarrier.arrive $0xFFFF  }
0x52: {  	p0 =	sne.s32 s0, $0x0;
	s0 =	rddreg [dreg:$0x1]  }
0x53: {  	s0 =	sadd.s32 @!p0 $0x100000, s0  }
0x54: {  	[sflag:s0] =	ssyncadd.tile.s32 @!p0 $0x1;
	_ =	shalt  }
.Lfunc_end2:
_tile_overlayer_lowered:
.L_overlay_start_2:
0x55: {  	(tag) =	ssettag $0x2  }
0x56: {  	s0 =	rddreg [dreg:$0x0];
	s2 =	stileid.u32  }
0x57: {  	s1 =	rddreg [dreg:$0x1];
	p0 =	sne.s32 s2, $0x0  }
0x58: {  	s3 =	rddreg [dreg:$0x2];
	[bflag:$0x3] =	sbarrier.arrive $0xFFFF;
	s2 =	simm.s32 @!p0 $0x1C0B  }
0x59: {  	[timem:s3], [sflag:s2] =	dma.local @!p0 [hbm:s0], s1  }
0x5a: {  	s0 =	simm.s32 @!p0 $0xB  }
0x5b: {  	_ =	swait.ge @!p0 [sflag:s0], s1  }
0x5c: {  	s1 =	ssub.s32 @!p0 $0x0, s1;
	[sflag:s0] =	ssyncset.done @!p0 $0x0  }
0x5d: {  	[sflag:s0] =	ssyncadd.s32 @!p0 s1  }
0x5e: {  	[bflag:$0x3] =	sbarrier.arrive $0xFFFF  }
0x5f: {  	_ =	shalt  }

</sc_bundles>
